<compile_context>
chip_gen: v7x
topology: tpu7x:2x2x1
jax: 0.10.2.dev20260603
libtpu: 0.0.44.dev20260713+nightly
codegen_flags: <defaults>
</compile_context>

<pallas_src>
import functools

import jax
import jax.numpy as jnp
from jax import lax
from jax.experimental import pallas as pl
from jax.experimental.pallas import tpu as pltpu
from jax.experimental.pallas import tpu_sc as plsc

VOCAB = 100000
D = 64
BATCH = 4096
SEQ = 50

_INFO = plsc.get_sparse_core_info()
NC = _INFO.num_cores
NS = _INFO.num_subcores
NW = NC * NS

BPW = BATCH // NW
LANES = 16
TP = BPW + 9


def _sc_gather(xT, table_real, table_imag):
    mesh = plsc.VectorSubcoreMesh(core_axis_name="c", subcore_axis_name="s")

    @functools.partial(
        pl.kernel,
        mesh=mesh,
        out_type=[
            jax.ShapeDtypeStruct((SEQ, D // 8, BATCH // BPW, 8, BPW), jnp.float32),
            jax.ShapeDtypeStruct((SEQ, D // 8, BATCH // BPW, 8, BPW), jnp.float32),
        ],
        scratch_types=[
            pltpu.VMEM((SEQ, BPW), jnp.int32),
            pltpu.VMEM((2, BPW, D), jnp.float32),
            pltpu.VMEM((2, BPW, D), jnp.float32),
            pltpu.VMEM((2, D // 8, 8, TP), jnp.float32),
            pltpu.VMEM((2, D // 8, 8, TP), jnp.float32),
            pltpu.SemaphoreType.DMA,
            pltpu.SemaphoreType.DMA,
            pltpu.SemaphoreType.DMA,
            pltpu.SemaphoreType.DMA,
        ],
        compiler_params=pltpu.CompilerParams(
            use_tc_tiling_on_sc=False, needs_layout_passes=False),
    )
    def k(xT_hbm, tr_hbm, ti_hbm, outr_hbm, outi_hbm,
          idx_v, buf_r, buf_i, bufT_r, bufT_i, semg0, semg1, semw0, semw1):
        wid = lax.axis_index("s") * NC + lax.axis_index("c")
        semg = [semg0, semg1]
        semw = [semw0, semw1]
        pltpu.sync_copy(xT_hbm.at[:, pl.ds(wid * BPW, BPW)], idx_v)
        iota = lax.iota(jnp.int32, LANES)
        dhs = [((16 * g + iota) >> 3).astype(jnp.int32) for g in range(D // LANES)]
        dls = [((16 * g + iota) & 7).astype(jnp.int32) for g in range(D // LANES)]

        def g_copies(s, b):
            idx_row = idx_v.at[s]
            return (pltpu.make_async_copy(tr_hbm.at[idx_row], buf_r.at[b], semg[b]),
                    pltpu.make_async_copy(ti_hbm.at[idx_row], buf_i.at[b], semg[b]))

        def w_copies(s, b):
            return (pltpu.make_async_copy(bufT_r.at[b, :, :, pl.ds(0, BPW)],
                                          outr_hbm.at[s, :, wid], semw[b]),
                    pltpu.make_async_copy(bufT_i.at[b, :, :, pl.ds(0, BPW)],
                                          outi_hbm.at[s, :, wid], semw[b]))

        def g_start(s, b):
            for c in g_copies(s, b):
                c.start()

        def g_wait(s, b):
            for c in g_copies(s, b):
                c.wait()

        def w_start(s, b):
            for c in w_copies(s, b):
                c.start()

        def w_wait(s, b):
            for c in w_copies(s, b):
                c.wait()

        g_start(0, 0)

        def rnd(r, _):
            for b in range(2):
                s = 2 * r + b

                @pl.when(s + 1 < SEQ)
                def _pref():
                    g_start(s + 1, 1 - b)

                @pl.when(s >= 2)
                def _drain():
                    w_wait(s - 2, b)

                g_wait(s, b)

                def token(t, _c):
                    t_idx = jnp.full((LANES,), t, jnp.int32)
                    for g in range(D // LANES):
                        vr = buf_r[b, t, pl.ds(g * LANES, LANES)]
                        vi = buf_i[b, t, pl.ds(g * LANES, LANES)]
                        plsc.store_scatter(bufT_r.at[b], [dhs[g], dls[g], t_idx], vr)
                        plsc.store_scatter(bufT_i.at[b], [dhs[g], dls[g], t_idx], vi)
                    return _c

                lax.fori_loop(0, BPW, token, 0, unroll=4)
                w_start(s, b)
            return _

        lax.fori_loop(0, SEQ // 2, rnd, 0, unroll=False)
        w_wait(SEQ - 2, 0)
        w_wait(SEQ - 1, 1)

    return k(xT, table_real, table_imag)


def kernel(x, table_real, table_imag):
    xT = jnp.transpose(x.astype(jnp.int32), (1, 0))
    out_r, out_i = _sc_gather(xT, table_real, table_imag)

    def unfold(o):
        return jnp.transpose(o, (2, 4, 0, 1, 3)).reshape(BATCH, SEQ, D)

    return unfold(lax.complex(out_r, out_i))

# --- scband reference (transcript-rebuilt; emitter-appended) ---
"""Pipeline reference for scband-complex-embedding-71219147702406 (READ-ONLY COPY).

The authoritative reference and input builder live on the scoring server;
editing this copy changes nothing except your own understanding.
"""

import math
import jax, jax.numpy as jnp
import numpy as np

VOCAB = 100000
D_MODEL = 64
BATCH = 4096
SEQ = 50
DECAY = 0.5


def _pink_noise_tables(key):
    # Faithful to complex_pink_noise_init: sigma_k = C/(k+1)^decay,
    # |z| = sigma_k * sqrt(X^2 + Y^2) (Rayleigh-like), phase ~ U[-pi, pi].
    k = jnp.arange(D_MODEL, dtype=jnp.float32)
    sigma_k = 1.0 / jnp.power(k + 1.0, DECAY)
    sum_sigma_sq = jnp.sum(sigma_k ** 2)
    C = jnp.sqrt(D_MODEL / (2.0 * sum_sigma_sq))
    sigma_k = sigma_k * C
    k1, k2, k3 = jax.random.split(key, 3)
    X = jax.random.normal(k1, (VOCAB, D_MODEL), dtype=jnp.float32)
    Y = jax.random.normal(k2, (VOCAB, D_MODEL), dtype=jnp.float32)
    magnitude = sigma_k[None, :] * jnp.sqrt(X ** 2 + Y ** 2)
    phase = jax.random.uniform(k3, (VOCAB, D_MODEL), dtype=jnp.float32) * 2.0 * math.pi - math.pi
    table_real = magnitude * jnp.cos(phase)
    table_imag = magnitude * jnp.sin(phase)
    return table_real, table_imag


def setup_inputs(seed: int = 0) -> dict:
    key = jax.random.key(seed)
    k_idx, k_tab = jax.random.split(key)
    x = jax.random.randint(k_idx, (BATCH, SEQ), 0, VOCAB, dtype=jnp.int64 if jax.config.jax_enable_x64 else jnp.int32)
    table_real, table_imag = _pink_noise_tables(k_tab)
    return {"x": x, "table_real": table_real, "table_imag": table_imag}


def reference(x, table_real, table_imag):
    # ComplexEmbedding.forward with bandwidth_ratio=1.0 (no truncation):
    # embeddings = self.embedding[x]
    table = jax.lax.complex(table_real, table_imag)  # complex64 parameter
    embeddings = jnp.take(table, x, axis=0)  # [BATCH, SEQ, D_MODEL] complex64
    return embeddings

if __name__ == "__main__":
    import jax
    _d = setup_inputs()
    print(jax.jit(kernel)(*tuple(_d.values())))

</pallas_src>

<mosaic_0001>
#map = affine_map<(d0, d1) -> (0, 0)>
#map1 = affine_map<(d0, d1) -> (0, 0, 0, 0, 0)>
module attributes {stable_mosaic.version = 14 : i64} {
  func.func @k(%arg0: i32, %arg1: i32, %arg2: memref<50x4096xi32, #tpu.memory_space<hbm>>, %arg3: memref<100000x64xf32, #tpu.memory_space<hbm>>, %arg4: memref<100000x64xf32, #tpu.memory_space<hbm>>, %arg5: memref<50x8x32x8x128xf32, #tpu.memory_space<hbm>>, %arg6: memref<50x8x32x8x128xf32, #tpu.memory_space<hbm>>, %arg7: memref<50x128xi32, #tpu.memory_space<vmem>>, %arg8: memref<2x128x64xf32, #tpu.memory_space<vmem>>, %arg9: memref<2x128x64xf32, #tpu.memory_space<vmem>>, %arg10: memref<2x8x8x137xf32, #tpu.memory_space<vmem>>, %arg11: memref<2x8x8x137xf32, #tpu.memory_space<vmem>>, %arg12: memref<!tpu.dma_semaphore, #tpu.memory_space<semaphore_mem>>, %arg13: memref<!tpu.dma_semaphore, #tpu.memory_space<semaphore_mem>>, %arg14: memref<!tpu.dma_semaphore, #tpu.memory_space<semaphore_mem>>, %arg15: memref<!tpu.dma_semaphore, #tpu.memory_space<semaphore_mem>>) attributes {dimension_semantics = [#tpu.dimension_semantics<core_parallel>, #tpu.dimension_semantics<subcore_parallel>], iteration_bounds = array<i64: 2, 16>, scalar_prefetch = 0 : i64, scratch_operands = 9 : i64, tpu.core_type = #tpu.core_type<sc_vector_subcore>, window_params = [{transform_indices = #map}, {transform_indices = #map}, {transform_indices = #map}, {transform_indices = #map1}, {transform_indices = #map1}]} {
    %mul3A = arith.constant 2 : i32
    %mul3A_0 = arith.muli %arg1, %mul3A : i32
    %add3A = arith.addi %mul3A_0, %arg0 : i32
    %mul3A_1 = arith.constant 128 : i32
    %mul3A_2 = arith.muli %add3A, %mul3A_1 : i32
    "tpu.region"() ({
      %run_scoped3A = tpu.sem_alloc : memref<!tpu.dma_semaphore, #tpu.memory_space<semaphore_mem>>
      %dma_start3A_164 = arith.constant 0 : i32
      %dma_start3A_165 = tpu.memref_slice %arg2[%dma_start3A_164, %mul3A_2] : memref<50x4096xi32, #tpu.memory_space<hbm>> -> memref<50x128xi32, #tpu.memory_space<hbm>>
      %dma_start3A_166 = arith.constant 0 : i32
      %dma_start3A_167 = tpu.memref_slice %arg2[%dma_start3A_166, %mul3A_2] : memref<50x4096xi32, #tpu.memory_space<hbm>> -> memref<50x128xi32, #tpu.memory_space<hbm>>
      tpu.enqueue_dma source(%dma_start3A_167 : memref<50x128xi32, #tpu.memory_space<hbm>>) target(%arg7 : memref<50x128xi32, #tpu.memory_space<vmem>>) target_semaphore(%run_scoped3A : memref<!tpu.dma_semaphore, #tpu.memory_space<semaphore_mem>>)
      %dma_wait3A_168 = arith.constant 0 : i32
      %dma_wait3A_169 = tpu.memref_slice %arg2[%dma_wait3A_168, %mul3A_2] : memref<50x4096xi32, #tpu.memory_space<hbm>> -> memref<50x128xi32, #tpu.memory_space<hbm>>
      %dma_wait3A_170 = arith.constant 0 : i32
      %dma_wait3A_171 = tpu.memref_slice %arg2[%dma_wait3A_170, %mul3A_2] : memref<50x4096xi32, #tpu.memory_space<hbm>> -> memref<50x128xi32, #tpu.memory_space<hbm>>
      tpu.wait_dma2 semaphore(%run_scoped3A : memref<!tpu.dma_semaphore, #tpu.memory_space<semaphore_mem>>) src(%dma_wait3A_171 : memref<50x128xi32, #tpu.memory_space<hbm>>) dst(%arg7 : memref<50x128xi32, #tpu.memory_space<vmem>>)
      tpu.yield
    }) : () -> ()
    %iota3A = tpu.iota {dimensions = array<i32: 0>} : vector<16xi32>
    %add3A_3 = arith.constant 0 : i32
    %add3A_4 = vector.broadcast %add3A_3 : i32 to vector<16xi32>
    %add3A_5 = arith.addi %add3A_4, %iota3A : vector<16xi32>
    %shift_right_arithmetic3A = arith.constant 3 : i32
    %shift_right_arithmetic3A_6 = vector.broadcast %shift_right_arithmetic3A : i32 to vector<16xi32>
    %shift_right_arithmetic3A_7 = arith.shrsi %add3A_5, %shift_right_arithmetic3A_6 : vector<16xi32>
    %add3A_8 = arith.constant 16 : i32
    %add3A_9 = vector.broadcast %add3A_8 : i32 to vector<16xi32>
    %add3A_10 = arith.addi %add3A_9, %iota3A : vector<16xi32>
    %shift_right_arithmetic3A_11 = arith.constant 3 : i32
    %shift_right_arithmetic3A_12 = vector.broadcast %shift_right_arithmetic3A_11 : i32 to vector<16xi32>
    %shift_right_arithmetic3A_13 = arith.shrsi %add3A_10, %shift_right_arithmetic3A_12 : vector<16xi32>
    %add3A_14 = arith.constant 32 : i32
    %add3A_15 = vector.broadcast %add3A_14 : i32 to vector<16xi32>
    %add3A_16 = arith.addi %add3A_15, %iota3A : vector<16xi32>
    %shift_right_arithmetic3A_17 = arith.constant 3 : i32
    %shift_right_arithmetic3A_18 = vector.broadcast %shift_right_arithmetic3A_17 : i32 to vector<16xi32>
    %shift_right_arithmetic3A_19 = arith.shrsi %add3A_16, %shift_right_arithmetic3A_18 : vector<16xi32>
    %add3A_20 = arith.constant 48 : i32
    %add3A_21 = vector.broadcast %add3A_20 : i32 to vector<16xi32>
    %add3A_22 = arith.addi %add3A_21, %iota3A : vector<16xi32>
    %shift_right_arithmetic3A_23 = arith.constant 3 : i32
    %shift_right_arithmetic3A_24 = vector.broadcast %shift_right_arithmetic3A_23 : i32 to vector<16xi32>
    %shift_right_arithmetic3A_25 = arith.shrsi %add3A_22, %shift_right_arithmetic3A_24 : vector<16xi32>
    %add3A_26 = arith.constant 0 : i32
    %add3A_27 = vector.broadcast %add3A_26 : i32 to vector<16xi32>
    %add3A_28 = arith.addi %add3A_27, %iota3A : vector<16xi32>
    %and3A = arith.constant 7 : i32
    %and3A_29 = vector.broadcast %and3A : i32 to vector<16xi32>
    %and3A_30 = arith.andi %add3A_28, %and3A_29 : vector<16xi32>
    %add3A_31 = arith.constant 16 : i32
    %add3A_32 = vector.broadcast %add3A_31 : i32 to vector<16xi32>
    %add3A_33 = arith.addi %add3A_32, %iota3A : vector<16xi32>
    %and3A_34 = arith.constant 7 : i32
    %and3A_35 = vector.broadcast %and3A_34 : i32 to vector<16xi32>
    %and3A_36 = arith.andi %add3A_33, %and3A_35 : vector<16xi32>
    %add3A_37 = arith.constant 32 : i32
    %add3A_38 = vector.broadcast %add3A_37 : i32 to vector<16xi32>
    %add3A_39 = arith.addi %add3A_38, %iota3A : vector<16xi32>
    %and3A_40 = arith.constant 7 : i32
    %and3A_41 = vector.broadcast %and3A_40 : i32 to vector<16xi32>
    %and3A_42 = arith.andi %add3A_39, %and3A_41 : vector<16xi32>
    %add3A_43 = arith.constant 48 : i32
    %add3A_44 = vector.broadcast %add3A_43 : i32 to vector<16xi32>
    %add3A_45 = arith.addi %add3A_44, %iota3A : vector<16xi32>
    %and3A_46 = arith.constant 7 : i32
    %and3A_47 = vector.broadcast %and3A_46 : i32 to vector<16xi32>
    %and3A_48 = arith.andi %add3A_45, %and3A_47 : vector<16xi32>
    %dma_start3A = arith.constant 0 : i32
    %dma_start3A_49 = arith.constant 0 : i32
    %dma_start3A_50 = arith.constant 0 : i32
    %dma_start3A_51 = arith.constant 0 : i32
    %dma_start3A_52 = tpu.memref_slice %arg8[%dma_start3A_49, %dma_start3A_50, %dma_start3A_51] : memref<2x128x64xf32, #tpu.memory_space<vmem>> -> memref<1x128x64xf32, #tpu.memory_space<vmem>>
    %dma_start3A_53 = tpu.memref_squeeze %dma_start3A_52 : memref<1x128x64xf32, #tpu.memory_space<vmem>> -> memref<128x64xf32, #tpu.memory_space<vmem>>
    %dma_start3A_54 = arith.constant 0 : i32
    %dma_start3A_55 = tpu.memref_slice %arg7[%dma_start3A, %dma_start3A_54] : memref<50x128xi32, #tpu.memory_space<vmem>> -> memref<1x128xi32, #tpu.memory_space<vmem>>
    %dma_start3A_56 = tpu.memref_squeeze %dma_start3A_55 : memref<1x128xi32, #tpu.memory_space<vmem>> -> memref<128xi32, #tpu.memory_space<vmem>>
    %dma_start3A_57 = arith.constant 0 : i32
    %dma_start3A_58 = arith.constant 0 : i32
    %dma_start3A_59 = tpu.memref_slice %arg3[%dma_start3A_57, %dma_start3A_58] : memref<100000x64xf32, #tpu.memory_space<hbm>> -> memref<100000x64xf32, #tpu.memory_space<hbm>>
    tpu.enqueue_indirect_dma source(%dma_start3A_59 : memref<100000x64xf32, #tpu.memory_space<hbm>>) target(%dma_start3A_53 : memref<128x64xf32, #tpu.memory_space<vmem>>) offsets(%dma_start3A_56 : memref<128xi32, #tpu.memory_space<vmem>>) semaphore(%arg12 : memref<!tpu.dma_semaphore, #tpu.memory_space<semaphore_mem>>)
    %dma_start3A_60 = arith.constant 0 : i32
    %dma_start3A_61 = arith.constant 0 : i32
    %dma_start3A_62 = arith.constant 0 : i32
    %dma_start3A_63 = arith.constant 0 : i32
    %dma_start3A_64 = tpu.memref_slice %arg9[%dma_start3A_61, %dma_start3A_62, %dma_start3A_63] : memref<2x128x64xf32, #tpu.memory_space<vmem>> -> memref<1x128x64xf32, #tpu.memory_space<vmem>>
    %dma_start3A_65 = tpu.memref_squeeze %dma_start3A_64 : memref<1x128x64xf32, #tpu.memory_space<vmem>> -> memref<128x64xf32, #tpu.memory_space<vmem>>
    %dma_start3A_66 = arith.constant 0 : i32
    %dma_start3A_67 = tpu.memref_slice %arg7[%dma_start3A_60, %dma_start3A_66] : memref<50x128xi32, #tpu.memory_space<vmem>> -> memref<1x128xi32, #tpu.memory_space<vmem>>
    %dma_start3A_68 = tpu.memref_squeeze %dma_start3A_67 : memref<1x128xi32, #tpu.memory_space<vmem>> -> memref<128xi32, #tpu.memory_space<vmem>>
    %dma_start3A_69 = arith.constant 0 : i32
    %dma_start3A_70 = arith.constant 0 : i32
    %dma_start3A_71 = tpu.memref_slice %arg4[%dma_start3A_69, %dma_start3A_70] : memref<100000x64xf32, #tpu.memory_space<hbm>> -> memref<100000x64xf32, #tpu.memory_space<hbm>>
    tpu.enqueue_indirect_dma source(%dma_start3A_71 : memref<100000x64xf32, #tpu.memory_space<hbm>>) target(%dma_start3A_65 : memref<128x64xf32, #tpu.memory_space<vmem>>) offsets(%dma_start3A_68 : memref<128xi32, #tpu.memory_space<vmem>>) semaphore(%arg12 : memref<!tpu.dma_semaphore, #tpu.memory_space<semaphore_mem>>)
    %scan3A = arith.constant 0 : i32
    %scan3A_72 = arith.constant 0 : i32
    %scan3A_73 = arith.constant 25 : i32
    %scan3A_74 = arith.addi %scan3A_72, %scan3A_73 : i32
    %scan3A_75 = arith.constant 1 : i32
    scf.for %scan3A_164 = %scan3A_72 to %scan3A_74 step %scan3A_75  : i32 {
      %mul3A_165 = arith.constant 2 : i32
      %mul3A_166 = arith.muli %mul3A_165, %scan3A_164 : i32
      %add3A_167 = arith.constant 0 : i32
      %add3A_168 = arith.addi %mul3A_166, %add3A_167 : i32
      %add3A_169 = arith.constant 1 : i32
      %add3A_170 = arith.addi %add3A_168, %add3A_169 : i32
      %lt3A = arith.constant 50 : i32
      %lt3A_171 = arith.cmpi slt, %add3A_170, %lt3A : i32
      %convert_element_type3A = arith.extui %lt3A_171 : i1 to i32
      %cond3A = arith.constant 0 : i32
      %cond3A_172 = arith.cmpi ne, %convert_element_type3A, %cond3A : i32
      scf.if %cond3A_172 {
        %add3A_333 = arith.constant 1 : i32
        %add3A_334 = arith.addi %add3A_168, %add3A_333 : i32
        %dma_start3A_335 = arith.constant 1 : i32
        %dma_start3A_336 = arith.constant 0 : i32
        %dma_start3A_337 = arith.constant 0 : i32
        %dma_start3A_338 = tpu.memref_slice %arg8[%dma_start3A_335, %dma_start3A_336, %dma_start3A_337] : memref<2x128x64xf32, #tpu.memory_space<vmem>> -> memref<1x128x64xf32, #tpu.memory_space<vmem>>
        %dma_start3A_339 = tpu.memref_squeeze %dma_start3A_338 : memref<1x128x64xf32, #tpu.memory_space<vmem>> -> memref<128x64xf32, #tpu.memory_space<vmem>>
        %dma_start3A_340 = arith.constant 0 : i32
        %dma_start3A_341 = tpu.memref_slice %arg7[%add3A_334, %dma_start3A_340] : memref<50x128xi32, #tpu.memory_space<vmem>> -> memref<1x128xi32, #tpu.memory_space<vmem>>
        %dma_start3A_342 = tpu.memref_squeeze %dma_start3A_341 : memref<1x128xi32, #tpu.memory_space<vmem>> -> memref<128xi32, #tpu.memory_space<vmem>>
        %dma_start3A_343 = arith.constant 0 : i32
        %dma_start3A_344 = arith.constant 0 : i32
        %dma_start3A_345 = tpu.memref_slice %arg3[%dma_start3A_343, %dma_start3A_344] : memref<100000x64xf32, #tpu.memory_space<hbm>> -> memref<100000x64xf32, #tpu.memory_space<hbm>>
        tpu.enqueue_indirect_dma source(%dma_start3A_345 : memref<100000x64xf32, #tpu.memory_space<hbm>>) target(%dma_start3A_339 : memref<128x64xf32, #tpu.memory_space<vmem>>) offsets(%dma_start3A_342 : memref<128xi32, #tpu.memory_space<vmem>>) semaphore(%arg13 : memref<!tpu.dma_semaphore, #tpu.memory_space<semaphore_mem>>)
        %dma_start3A_346 = arith.constant 1 : i32
        %dma_start3A_347 = arith.constant 0 : i32
        %dma_start3A_348 = arith.constant 0 : i32
        %dma_start3A_349 = tpu.memref_slice %arg9[%dma_start3A_346, %dma_start3A_347, %dma_start3A_348] : memref<2x128x64xf32, #tpu.memory_space<vmem>> -> memref<1x128x64xf32, #tpu.memory_space<vmem>>
        %dma_start3A_350 = tpu.memref_squeeze %dma_start3A_349 : memref<1x128x64xf32, #tpu.memory_space<vmem>> -> memref<128x64xf32, #tpu.memory_space<vmem>>
        %dma_start3A_351 = arith.constant 0 : i32
        %dma_start3A_352 = tpu.memref_slice %arg7[%add3A_334, %dma_start3A_351] : memref<50x128xi32, #tpu.memory_space<vmem>> -> memref<1x128xi32, #tpu.memory_space<vmem>>
        %dma_start3A_353 = tpu.memref_squeeze %dma_start3A_352 : memref<1x128xi32, #tpu.memory_space<vmem>> -> memref<128xi32, #tpu.memory_space<vmem>>
        %dma_start3A_354 = arith.constant 0 : i32
        %dma_start3A_355 = arith.constant 0 : i32
        %dma_start3A_356 = tpu.memref_slice %arg4[%dma_start3A_354, %dma_start3A_355] : memref<100000x64xf32, #tpu.memory_space<hbm>> -> memref<100000x64xf32, #tpu.memory_space<hbm>>
        tpu.enqueue_indirect_dma source(%dma_start3A_356 : memref<100000x64xf32, #tpu.memory_space<hbm>>) target(%dma_start3A_350 : memref<128x64xf32, #tpu.memory_space<vmem>>) offsets(%dma_start3A_353 : memref<128xi32, #tpu.memory_space<vmem>>) semaphore(%arg13 : memref<!tpu.dma_semaphore, #tpu.memory_space<semaphore_mem>>)
      } else {
      }
      %ge3A = arith.constant 2 : i32
      %ge3A_173 = arith.cmpi sge, %add3A_168, %ge3A : i32
      %convert_element_type3A_174 = arith.extui %ge3A_173 : i1 to i32
      %cond3A_175 = arith.constant 0 : i32
      %cond3A_176 = arith.cmpi ne, %convert_element_type3A_174, %cond3A_175 : i32
      scf.if %cond3A_176 {
        %sub3A = arith.constant 2 : i32
        %sub3A_333 = arith.subi %add3A_168, %sub3A : i32
        %dma_wait3A_334 = arith.constant 0 : i32
        %dma_wait3A_335 = arith.constant 0 : i32
        %dma_wait3A_336 = arith.constant 0 : i32
        %dma_wait3A_337 = arith.constant 0 : i32
        %dma_wait3A_338 = tpu.memref_slice %arg10[%dma_wait3A_334, %dma_wait3A_335, %dma_wait3A_336, %dma_wait3A_337] : memref<2x8x8x137xf32, #tpu.memory_space<vmem>> -> memref<1x8x8x128xf32, #tpu.memory_space<vmem>>
        %dma_wait3A_339 = tpu.memref_squeeze %dma_wait3A_338 : memref<1x8x8x128xf32, #tpu.memory_space<vmem>> -> memref<8x8x128xf32, #tpu.memory_space<vmem>>
        %dma_wait3A_340 = arith.constant 0 : i32
        %dma_wait3A_341 = arith.constant 0 : i32
        %dma_wait3A_342 = arith.constant 0 : i32
        %dma_wait3A_343 = tpu.memref_slice %arg5[%sub3A_333, %dma_wait3A_340, %add3A, %dma_wait3A_341, %dma_wait3A_342] : memref<50x8x32x8x128xf32, #tpu.memory_space<hbm>> -> memref<1x8x1x8x128xf32, #tpu.memory_space<hbm>>
        %dma_wait3A_344 = tpu.memref_squeeze %dma_wait3A_343 : memref<1x8x1x8x128xf32, #tpu.memory_space<hbm>> -> memref<8x8x128xf32, #tpu.memory_space<hbm>>
        %dma_wait3A_345 = arith.constant 0 : i32
        %dma_wait3A_346 = arith.constant 0 : i32
        %dma_wait3A_347 = arith.constant 0 : i32
        %dma_wait3A_348 = tpu.memref_slice %arg5[%sub3A_333, %dma_wait3A_345, %add3A, %dma_wait3A_346, %dma_wait3A_347] : memref<50x8x32x8x128xf32, #tpu.memory_space<hbm>> -> memref<1x8x1x8x128xf32, #tpu.memory_space<hbm>>
        %dma_wait3A_349 = tpu.memref_squeeze %dma_wait3A_348 : memref<1x8x1x8x128xf32, #tpu.memory_space<hbm>> -> memref<8x8x128xf32, #tpu.memory_space<hbm>>
        %dma_wait3A_350 = arith.constant 0 : i32
        %dma_wait3A_351 = arith.constant 0 : i32
        %dma_wait3A_352 = arith.constant 0 : i32
        %dma_wait3A_353 = tpu.memref_slice %arg10[%dma_wait3A_334, %dma_wait3A_350, %dma_wait3A_351, %dma_wait3A_352] : memref<2x8x8x137xf32, #tpu.memory_space<vmem>> -> memref<1x8x8x128xf32, #tpu.memory_space<vmem>>
        %dma_wait3A_354 = tpu.memref_squeeze %dma_wait3A_353 : memref<1x8x8x128xf32, #tpu.memory_space<vmem>> -> memref<8x8x128xf32, #tpu.memory_space<vmem>>
        tpu.wait_dma2 semaphore(%arg14 : memref<!tpu.dma_semaphore, #tpu.memory_space<semaphore_mem>>) src(%dma_wait3A_354 : memref<8x8x128xf32, #tpu.memory_space<vmem>>) dst(%dma_wait3A_349 : memref<8x8x128xf32, #tpu.memory_space<hbm>>)
        %dma_wait3A_355 = arith.constant 0 : i32
        %dma_wait3A_356 = arith.constant 0 : i32
        %dma_wait3A_357 = arith.constant 0 : i32
        %dma_wait3A_358 = arith.constant 0 : i32
        %dma_wait3A_359 = tpu.memref_slice %arg11[%dma_wait3A_355, %dma_wait3A_356, %dma_wait3A_357, %dma_wait3A_358] : memref<2x8x8x137xf32, #tpu.memory_space<vmem>> -> memref<1x8x8x128xf32, #tpu.memory_space<vmem>>
        %dma_wait3A_360 = tpu.memref_squeeze %dma_wait3A_359 : memref<1x8x8x128xf32, #tpu.memory_space<vmem>> -> memref<8x8x128xf32, #tpu.memory_space<vmem>>
        %dma_wait3A_361 = arith.constant 0 : i32
        %dma_wait3A_362 = arith.constant 0 : i32
        %dma_wait3A_363 = arith.constant 0 : i32
        %dma_wait3A_364 = tpu.memref_slice %arg6[%sub3A_333, %dma_wait3A_361, %add3A, %dma_wait3A_362, %dma_wait3A_363] : memref<50x8x32x8x128xf32, #tpu.memory_space<hbm>> -> memref<1x8x1x8x128xf32, #tpu.memory_space<hbm>>
        %dma_wait3A_365 = tpu.memref_squeeze %dma_wait3A_364 : memref<1x8x1x8x128xf32, #tpu.memory_space<hbm>> -> memref<8x8x128xf32, #tpu.memory_space<hbm>>
        %dma_wait3A_366 = arith.constant 0 : i32
        %dma_wait3A_367 = arith.constant 0 : i32
        %dma_wait3A_368 = arith.constant 0 : i32
        %dma_wait3A_369 = tpu.memref_slice %arg6[%sub3A_333, %dma_wait3A_366, %add3A, %dma_wait3A_367, %dma_wait3A_368] : memref<50x8x32x8x128xf32, #tpu.memory_space<hbm>> -> memref<1x8x1x8x128xf32, #tpu.memory_space<hbm>>
        %dma_wait3A_370 = tpu.memref_squeeze %dma_wait3A_369 : memref<1x8x1x8x128xf32, #tpu.memory_space<hbm>> -> memref<8x8x128xf32, #tpu.memory_space<hbm>>
        %dma_wait3A_371 = arith.constant 0 : i32
        %dma_wait3A_372 = arith.constant 0 : i32
        %dma_wait3A_373 = arith.constant 0 : i32
        %dma_wait3A_374 = tpu.memref_slice %arg11[%dma_wait3A_355, %dma_wait3A_371, %dma_wait3A_372, %dma_wait3A_373] : memref<2x8x8x137xf32, #tpu.memory_space<vmem>> -> memref<1x8x8x128xf32, #tpu.memory_space<vmem>>
        %dma_wait3A_375 = tpu.memref_squeeze %dma_wait3A_374 : memref<1x8x8x128xf32, #tpu.memory_space<vmem>> -> memref<8x8x128xf32, #tpu.memory_space<vmem>>
        tpu.wait_dma2 semaphore(%arg14 : memref<!tpu.dma_semaphore, #tpu.memory_space<semaphore_mem>>) src(%dma_wait3A_375 : memref<8x8x128xf32, #tpu.memory_space<vmem>>) dst(%dma_wait3A_370 : memref<8x8x128xf32, #tpu.memory_space<hbm>>)
      } else {
      }
      %dma_wait3A_177 = arith.constant 0 : i32
      %dma_wait3A_178 = arith.constant 0 : i32
      %dma_wait3A_179 = arith.constant 0 : i32
      %dma_wait3A_180 = tpu.memref_slice %arg8[%dma_wait3A_177, %dma_wait3A_178, %dma_wait3A_179] : memref<2x128x64xf32, #tpu.memory_space<vmem>> -> memref<1x128x64xf32, #tpu.memory_space<vmem>>
      %dma_wait3A_181 = tpu.memref_squeeze %dma_wait3A_180 : memref<1x128x64xf32, #tpu.memory_space<vmem>> -> memref<128x64xf32, #tpu.memory_space<vmem>>
      %dma_wait3A_182 = arith.constant 0 : i32
      %dma_wait3A_183 = tpu.memref_slice %arg7[%add3A_168, %dma_wait3A_182] : memref<50x128xi32, #tpu.memory_space<vmem>> -> memref<1x128xi32, #tpu.memory_space<vmem>>
      %dma_wait3A_184 = tpu.memref_squeeze %dma_wait3A_183 : memref<1x128xi32, #tpu.memory_space<vmem>> -> memref<128xi32, #tpu.memory_space<vmem>>
      %dma_wait3A_185 = arith.constant 0 : i32
      %dma_wait3A_186 = arith.constant 0 : i32
      %dma_wait3A_187 = tpu.memref_slice %arg3[%dma_wait3A_185, %dma_wait3A_186] : memref<100000x64xf32, #tpu.memory_space<hbm>> -> memref<100000x64xf32, #tpu.memory_space<hbm>>
      tpu.wait_indirect_dma semaphore(%arg12 : memref<!tpu.dma_semaphore, #tpu.memory_space<semaphore_mem>>) src(%dma_wait3A_187 : memref<100000x64xf32, #tpu.memory_space<hbm>>) dst(%dma_wait3A_181 : memref<128x64xf32, #tpu.memory_space<vmem>>)
      %dma_wait3A_188 = arith.constant 0 : i32
      %dma_wait3A_189 = arith.constant 0 : i32
      %dma_wait3A_190 = arith.constant 0 : i32
      %dma_wait3A_191 = tpu.memref_slice %arg9[%dma_wait3A_188, %dma_wait3A_189, %dma_wait3A_190] : memref<2x128x64xf32, #tpu.memory_space<vmem>> -> memref<1x128x64xf32, #tpu.memory_space<vmem>>
      %dma_wait3A_192 = tpu.memref_squeeze %dma_wait3A_191 : memref<1x128x64xf32, #tpu.memory_space<vmem>> -> memref<128x64xf32, #tpu.memory_space<vmem>>
      %dma_wait3A_193 = arith.constant 0 : i32
      %dma_wait3A_194 = tpu.memref_slice %arg7[%add3A_168, %dma_wait3A_193] : memref<50x128xi32, #tpu.memory_space<vmem>> -> memref<1x128xi32, #tpu.memory_space<vmem>>
      %dma_wait3A_195 = tpu.memref_squeeze %dma_wait3A_194 : memref<1x128xi32, #tpu.memory_space<vmem>> -> memref<128xi32, #tpu.memory_space<vmem>>
      %dma_wait3A_196 = arith.constant 0 : i32
      %dma_wait3A_197 = arith.constant 0 : i32
      %dma_wait3A_198 = tpu.memref_slice %arg4[%dma_wait3A_196, %dma_wait3A_197] : memref<100000x64xf32, #tpu.memory_space<hbm>> -> memref<100000x64xf32, #tpu.memory_space<hbm>>
      tpu.wait_indirect_dma semaphore(%arg12 : memref<!tpu.dma_semaphore, #tpu.memory_space<semaphore_mem>>) src(%dma_wait3A_198 : memref<100000x64xf32, #tpu.memory_space<hbm>>) dst(%dma_wait3A_192 : memref<128x64xf32, #tpu.memory_space<vmem>>)
      %scan3A_199 = arith.constant 0 : i32
      %scan3A_200 = arith.constant 0 : i32
      %scan3A_201 = arith.constant 128 : i32
      %scan3A_202 = arith.addi %scan3A_200, %scan3A_201 : i32
      %scan3A_203 = arith.constant 4 : i32
      scf.for %scan3A_333 = %scan3A_200 to %scan3A_202 step %scan3A_203  : i32 {
        %broadcast_in_dim3A = vector.broadcast %scan3A_333 : i32 to vector<16xi32>
        %get3A = arith.constant 0 : i32
        %get3A_334 = arith.index_cast %get3A : i32 to index
        %get3A_335 = arith.index_cast %scan3A_333 : i32 to index
        %get3A_336 = arith.constant 0 : index
        %get3A_337 = tpu.vector_load %arg8[%get3A_334, %get3A_335, %get3A_336] {strides = array<i32>} : memref<2x128x64xf32, #tpu.memory_space<vmem>>, vector<16xf32>,
        %get3A_338 = arith.constant 0 : i32
        %get3A_339 = arith.index_cast %get3A_338 : i32 to index
        %get3A_340 = arith.index_cast %scan3A_333 : i32 to index
        %get3A_341 = arith.constant 0 : index
        %get3A_342 = tpu.vector_load %arg9[%get3A_339, %get3A_340, %get3A_341] {strides = array<i32>} : memref<2x128x64xf32, #tpu.memory_space<vmem>>, vector<16xf32>,
        %scatter3A = arith.constant 0 : i32
        %scatter3A_343 = arith.constant 0 : i32
        %scatter3A_344 = arith.constant 0 : i32
        %scatter3A_345 = arith.constant 0 : i32
        %scatter3A_346 = tpu.memref_slice %arg10[%scatter3A, %scatter3A_343, %scatter3A_344, %scatter3A_345] : memref<2x8x8x137xf32, #tpu.memory_space<vmem>> -> memref<1x8x8x137xf32, #tpu.memory_space<vmem>>
        %scatter3A_347 = tpu.memref_squeeze %scatter3A_346 : memref<1x8x8x137xf32, #tpu.memory_space<vmem>> -> memref<8x8x137xf32, #tpu.memory_space<vmem>>
        tpu.vector_store_idx %scatter3A_347[%shift_right_arithmetic3A_7, %and3A_30, %broadcast_in_dim3A], %get3A_337 : memref<8x8x137xf32, #tpu.memory_space<vmem>>[vector<16xi32>, vector<16xi32>, vector<16xi32>], vector<16xf32>,
        %scatter3A_348 = arith.constant 0 : i32
        %scatter3A_349 = arith.constant 0 : i32
        %scatter3A_350 = arith.constant 0 : i32
        %scatter3A_351 = arith.constant 0 : i32
        %scatter3A_352 = tpu.memref_slice %arg11[%scatter3A_348, %scatter3A_349, %scatter3A_350, %scatter3A_351] : memref<2x8x8x137xf32, #tpu.memory_space<vmem>> -> memref<1x8x8x137xf32, #tpu.memory_space<vmem>>
        %scatter3A_353 = tpu.memref_squeeze %scatter3A_352 : memref<1x8x8x137xf32, #tpu.memory_space<vmem>> -> memref<8x8x137xf32, #tpu.memory_space<vmem>>
        tpu.vector_store_idx %scatter3A_353[%shift_right_arithmetic3A_7, %and3A_30, %broadcast_in_dim3A], %get3A_342 : memref<8x8x137xf32, #tpu.memory_space<vmem>>[vector<16xi32>, vector<16xi32>, vector<16xi32>], vector<16xf32>,
        %get3A_354 = arith.constant 0 : i32
        %get3A_355 = arith.index_cast %get3A_354 : i32 to index
        %get3A_356 = arith.index_cast %scan3A_333 : i32 to index
        %get3A_357 = arith.constant 16 : index
        %get3A_358 = tpu.vector_load %arg8[%get3A_355, %get3A_356, %get3A_357] {strides = array<i32>} : memref<2x128x64xf32, #tpu.memory_space<vmem>>, vector<16xf32>,
        %get3A_359 = arith.constant 0 : i32
        %get3A_360 = arith.index_cast %get3A_359 : i32 to index
        %get3A_361 = arith.index_cast %scan3A_333 : i32 to index
        %get3A_362 = arith.constant 16 : index
        %get3A_363 = tpu.vector_load %arg9[%get3A_360, %get3A_361, %get3A_362] {strides = array<i32>} : memref<2x128x64xf32, #tpu.memory_space<vmem>>, vector<16xf32>,
        %scatter3A_364 = arith.constant 0 : i32
        %scatter3A_365 = arith.constant 0 : i32
        %scatter3A_366 = arith.constant 0 : i32
        %scatter3A_367 = arith.constant 0 : i32
        %scatter3A_368 = tpu.memref_slice %arg10[%scatter3A_364, %scatter3A_365, %scatter3A_366, %scatter3A_367] : memref<2x8x8x137xf32, #tpu.memory_space<vmem>> -> memref<1x8x8x137xf32, #tpu.memory_space<vmem>>
        %scatter3A_369 = tpu.memref_squeeze %scatter3A_368 : memref<1x8x8x137xf32, #tpu.memory_space<vmem>> -> memref<8x8x137xf32, #tpu.memory_space<vmem>>
        tpu.vector_store_idx %scatter3A_369[%shift_right_arithmetic3A_13, %and3A_36, %broadcast_in_dim3A], %get3A_358 : memref<8x8x137xf32, #tpu.memory_space<vmem>>[vector<16xi32>, vector<16xi32>, vector<16xi32>], vector<16xf32>,
        %scatter3A_370 = arith.constant 0 : i32
        %scatter3A_371 = arith.constant 0 : i32
        %scatter3A_372 = arith.constant 0 : i32
        %scatter3A_373 = arith.constant 0 : i32
        %scatter3A_374 = tpu.memref_slice %arg11[%scatter3A_370, %scatter3A_371, %scatter3A_372, %scatter3A_373] : memref<2x8x8x137xf32, #tpu.memory_space<vmem>> -> memref<1x8x8x137xf32, #tpu.memory_space<vmem>>
        %scatter3A_375 = tpu.memref_squeeze %scatter3A_374 : memref<1x8x8x137xf32, #tpu.memory_space<vmem>> -> memref<8x8x137xf32, #tpu.memory_space<vmem>>
        tpu.vector_store_idx %scatter3A_375[%shift_right_arithmetic3A_13, %and3A_36, %broadcast_in_dim3A], %get3A_363 : memref<8x8x137xf32, #tpu.memory_space<vmem>>[vector<16xi32>, vector<16xi32>, vector<16xi32>], vector<16xf32>,
        %get3A_376 = arith.constant 0 : i32
        %get3A_377 = arith.index_cast %get3A_376 : i32 to index
        %get3A_378 = arith.index_cast %scan3A_333 : i32 to index
        %get3A_379 = arith.constant 32 : index
        %get3A_380 = tpu.vector_load %arg8[%get3A_377, %get3A_378, %get3A_379] {strides = array<i32>} : memref<2x128x64xf32, #tpu.memory_space<vmem>>, vector<16xf32>,
        %get3A_381 = arith.constant 0 : i32
        %get3A_382 = arith.index_cast %get3A_381 : i32 to index
        %get3A_383 = arith.index_cast %scan3A_333 : i32 to index
        %get3A_384 = arith.constant 32 : index
        %get3A_385 = tpu.vector_load %arg9[%get3A_382, %get3A_383, %get3A_384] {strides = array<i32>} : memref<2x128x64xf32, #tpu.memory_space<vmem>>, vector<16xf32>,
        %scatter3A_386 = arith.constant 0 : i32
        %scatter3A_387 = arith.constant 0 : i32
        %scatter3A_388 = arith.constant 0 : i32
        %scatter3A_389 = arith.constant 0 : i32
        %scatter3A_390 = tpu.memref_slice %arg10[%scatter3A_386, %scatter3A_387, %scatter3A_388, %scatter3A_389] : memref<2x8x8x137xf32, #tpu.memory_space<vmem>> -> memref<1x8x8x137xf32, #tpu.memory_space<vmem>>
        %scatter3A_391 = tpu.memref_squeeze %scatter3A_390 : memref<1x8x8x137xf32, #tpu.memory_space<vmem>> -> memref<8x8x137xf32, #tpu.memory_space<vmem>>
        tpu.vector_store_idx %scatter3A_391[%shift_right_arithmetic3A_19, %and3A_42, %broadcast_in_dim3A], %get3A_380 : memref<8x8x137xf32, #tpu.memory_space<vmem>>[vector<16xi32>, vector<16xi32>, vector<16xi32>], vector<16xf32>,
        %scatter3A_392 = arith.constant 0 : i32
        %scatter3A_393 = arith.constant 0 : i32
        %scatter3A_394 = arith.constant 0 : i32
        %scatter3A_395 = arith.constant 0 : i32
        %scatter3A_396 = tpu.memref_slice %arg11[%scatter3A_392, %scatter3A_393, %scatter3A_394, %scatter3A_395] : memref<2x8x8x137xf32, #tpu.memory_space<vmem>> -> memref<1x8x8x137xf32, #tpu.memory_space<vmem>>
        %scatter3A_397 = tpu.memref_squeeze %scatter3A_396 : memref<1x8x8x137xf32, #tpu.memory_space<vmem>> -> memref<8x8x137xf32, #tpu.memory_space<vmem>>
        tpu.vector_store_idx %scatter3A_397[%shift_right_arithmetic3A_19, %and3A_42, %broadcast_in_dim3A], %get3A_385 : memref<8x8x137xf32, #tpu.memory_space<vmem>>[vector<16xi32>, vector<16xi32>, vector<16xi32>], vector<16xf32>,
        %get3A_398 = arith.constant 0 : i32
        %get3A_399 = arith.index_cast %get3A_398 : i32 to index
        %get3A_400 = arith.index_cast %scan3A_333 : i32 to index
        %get3A_401 = arith.constant 48 : index
        %get3A_402 = tpu.vector_load %arg8[%get3A_399, %get3A_400, %get3A_401] {strides = array<i32>} : memref<2x128x64xf32, #tpu.memory_space<vmem>>, vector<16xf32>,
        %get3A_403 = arith.constant 0 : i32
        %get3A_404 = arith.index_cast %get3A_403 : i32 to index
        %get3A_405 = arith.index_cast %scan3A_333 : i32 to index
        %get3A_406 = arith.constant 48 : index
        %get3A_407 = tpu.vector_load %arg9[%get3A_404, %get3A_405, %get3A_406] {strides = array<i32>} : memref<2x128x64xf32, #tpu.memory_space<vmem>>, vector<16xf32>,
        %scatter3A_408 = arith.constant 0 : i32
        %scatter3A_409 = arith.constant 0 : i32
        %scatter3A_410 = arith.constant 0 : i32
        %scatter3A_411 = arith.constant 0 : i32
        %scatter3A_412 = tpu.memref_slice %arg10[%scatter3A_408, %scatter3A_409, %scatter3A_410, %scatter3A_411] : memref<2x8x8x137xf32, #tpu.memory_space<vmem>> -> memref<1x8x8x137xf32, #tpu.memory_space<vmem>>
        %scatter3A_413 = tpu.memref_squeeze %scatter3A_412 : memref<1x8x8x137xf32, #tpu.memory_space<vmem>> -> memref<8x8x137xf32, #tpu.memory_space<vmem>>
        tpu.vector_store_idx %scatter3A_413[%shift_right_arithmetic3A_25, %and3A_48, %broadcast_in_dim3A], %get3A_402 : memref<8x8x137xf32, #tpu.memory_space<vmem>>[vector<16xi32>, vector<16xi32>, vector<16xi32>], vector<16xf32>,
        %scatter3A_414 = arith.constant 0 : i32
        %scatter3A_415 = arith.constant 0 : i32
        %scatter3A_416 = arith.constant 0 : i32
        %scatter3A_417 = arith.constant 0 : i32
        %scatter3A_418 = tpu.memref_slice %arg11[%scatter3A_414, %scatter3A_415, %scatter3A_416, %scatter3A_417] : memref<2x8x8x137xf32, #tpu.memory_space<vmem>> -> memref<1x8x8x137xf32, #tpu.memory_space<vmem>>
        %scatter3A_419 = tpu.memref_squeeze %scatter3A_418 : memref<1x8x8x137xf32, #tpu.memory_space<vmem>> -> memref<8x8x137xf32, #tpu.memory_space<vmem>>
        tpu.vector_store_idx %scatter3A_419[%shift_right_arithmetic3A_25, %and3A_48, %broadcast_in_dim3A], %get3A_407 : memref<8x8x137xf32, #tpu.memory_space<vmem>>[vector<16xi32>, vector<16xi32>, vector<16xi32>], vector<16xf32>,
        %scan3A_420 = arith.constant 1 : i32
        %scan3A_421 = arith.addi %scan3A_333, %scan3A_420 : i32
        %broadcast_in_dim3A_422 = vector.broadcast %scan3A_421 : i32 to vector<16xi32>
        %get3A_423 = arith.constant 0 : i32
        %get3A_424 = arith.index_cast %get3A_423 : i32 to index
        %get3A_425 = arith.index_cast %scan3A_421 : i32 to index
        %get3A_426 = arith.constant 0 : index
        %get3A_427 = tpu.vector_load %arg8[%get3A_424, %get3A_425, %get3A_426] {strides = array<i32>} : memref<2x128x64xf32, #tpu.memory_space<vmem>>, vector<16xf32>,
        %get3A_428 = arith.constant 0 : i32
        %get3A_429 = arith.index_cast %get3A_428 : i32 to index
        %get3A_430 = arith.index_cast %scan3A_421 : i32 to index
        %get3A_431 = arith.constant 0 : index
        %get3A_432 = tpu.vector_load %arg9[%get3A_429, %get3A_430, %get3A_431] {strides = array<i32>} : memref<2x128x64xf32, #tpu.memory_space<vmem>>, vector<16xf32>,
        %scatter3A_433 = arith.constant 0 : i32
        %scatter3A_434 = arith.constant 0 : i32
        %scatter3A_435 = arith.constant 0 : i32
        %scatter3A_436 = arith.constant 0 : i32
        %scatter3A_437 = tpu.memref_slice %arg10[%scatter3A_433, %scatter3A_434, %scatter3A_435, %scatter3A_436] : memref<2x8x8x137xf32, #tpu.memory_space<vmem>> -> memref<1x8x8x137xf32, #tpu.memory_space<vmem>>
        %scatter3A_438 = tpu.memref_squeeze %scatter3A_437 : memref<1x8x8x137xf32, #tpu.memory_space<vmem>> -> memref<8x8x137xf32, #tpu.memory_space<vmem>>
        tpu.vector_store_idx %scatter3A_438[%shift_right_arithmetic3A_7, %and3A_30, %broadcast_in_dim3A_422], %get3A_427 : memref<8x8x137xf32, #tpu.memory_space<vmem>>[vector<16xi32>, vector<16xi32>, vector<16xi32>], vector<16xf32>,
        %scatter3A_439 = arith.constant 0 : i32
        %scatter3A_440 = arith.constant 0 : i32
        %scatter3A_441 = arith.constant 0 : i32
        %scatter3A_442 = arith.constant 0 : i32
        %scatter3A_443 = tpu.memref_slice %arg11[%scatter3A_439, %scatter3A_440, %scatter3A_441, %scatter3A_442] : memref<2x8x8x137xf32, #tpu.memory_space<vmem>> -> memref<1x8x8x137xf32, #tpu.memory_space<vmem>>
        %scatter3A_444 = tpu.memref_squeeze %scatter3A_443 : memref<1x8x8x137xf32, #tpu.memory_space<vmem>> -> memref<8x8x137xf32, #tpu.memory_space<vmem>>
        tpu.vector_store_idx %scatter3A_444[%shift_right_arithmetic3A_7, %and3A_30, %broadcast_in_dim3A_422], %get3A_432 : memref<8x8x137xf32, #tpu.memory_space<vmem>>[vector<16xi32>, vector<16xi32>, vector<16xi32>], vector<16xf32>,
        %get3A_445 = arith.constant 0 : i32
        %get3A_446 = arith.index_cast %get3A_445 : i32 to index
        %get3A_447 = arith.index_cast %scan3A_421 : i32 to index
        %get3A_448 = arith.constant 16 : index
        %get3A_449 = tpu.vector_load %arg8[%get3A_446, %get3A_447, %get3A_448] {strides = array<i32>} : memref<2x128x64xf32, #tpu.memory_space<vmem>>, vector<16xf32>,
        %get3A_450 = arith.constant 0 : i32
        %get3A_451 = arith.index_cast %get3A_450 : i32 to index
        %get3A_452 = arith.index_cast %scan3A_421 : i32 to index
        %get3A_453 = arith.constant 16 : index
        %get3A_454 = tpu.vector_load %arg9[%get3A_451, %get3A_452, %get3A_453] {strides = array<i32>} : memref<2x128x64xf32, #tpu.memory_space<vmem>>, vector<16xf32>,
        %scatter3A_455 = arith.constant 0 : i32
        %scatter3A_456 = arith.constant 0 : i32
        %scatter3A_457 = arith.constant 0 : i32
        %scatter3A_458 = arith.constant 0 : i32
        %scatter3A_459 = tpu.memref_slice %arg10[%scatter3A_455, %scatter3A_456, %scatter3A_457, %scatter3A_458] : memref<2x8x8x137xf32, #tpu.memory_space<vmem>> -> memref<1x8x8x137xf32, #tpu.memory_space<vmem>>
        %scatter3A_460 = tpu.memref_squeeze %scatter3A_459 : memref<1x8x8x137xf32, #tpu.memory_space<vmem>> -> memref<8x8x137xf32, #tpu.memory_space<vmem>>
        tpu.vector_store_idx %scatter3A_460[%shift_right_arithmetic3A_13, %and3A_36, %broadcast_in_dim3A_422], %get3A_449 : memref<8x8x137xf32, #tpu.memory_space<vmem>>[vector<16xi32>, vector<16xi32>, vector<16xi32>], vector<16xf32>,
        %scatter3A_461 = arith.constant 0 : i32
        %scatter3A_462 = arith.constant 0 : i32
        %scatter3A_463 = arith.constant 0 : i32
        %scatter3A_464 = arith.constant 0 : i32
        %scatter3A_465 = tpu.memref_slice %arg11[%scatter3A_461, %scatter3A_462, %scatter3A_463, %scatter3A_464] : memref<2x8x8x137xf32, #tpu.memory_space<vmem>> -> memref<1x8x8x137xf32, #tpu.memory_space<vmem>>
        %scatter3A_466 = tpu.memref_squeeze %scatter3A_465 : memref<1x8x8x137xf32, #tpu.memory_space<vmem>> -> memref<8x8x137xf32, #tpu.memory_space<vmem>>
        tpu.vector_store_idx %scatter3A_466[%shift_right_arithmetic3A_13, %and3A_36, %broadcast_in_dim3A_422], %get3A_454 : memref<8x8x137xf32, #tpu.memory_space<vmem>>[vector<16xi32>, vector<16xi32>, vector<16xi32>], vector<16xf32>,
        %get3A_467 = arith.constant 0 : i32
        %get3A_468 = arith.index_cast %get3A_467 : i32 to index
        %get3A_469 = arith.index_cast %scan3A_421 : i32 to index
        %get3A_470 = arith.constant 32 : index
        %get3A_471 = tpu.vector_load %arg8[%get3A_468, %get3A_469, %get3A_470] {strides = array<i32>} : memref<2x128x64xf32, #tpu.memory_space<vmem>>, vector<16xf32>,
        %get3A_472 = arith.constant 0 : i32
        %get3A_473 = arith.index_cast %get3A_472 : i32 to index
        %get3A_474 = arith.index_cast %scan3A_421 : i32 to index
        %get3A_475 = arith.constant 32 : index
        %get3A_476 = tpu.vector_load %arg9[%get3A_473, %get3A_474, %get3A_475] {strides = array<i32>} : memref<2x128x64xf32, #tpu.memory_space<vmem>>, vector<16xf32>,
        %scatter3A_477 = arith.constant 0 : i32
        %scatter3A_478 = arith.constant 0 : i32
        %scatter3A_479 = arith.constant 0 : i32
        %scatter3A_480 = arith.constant 0 : i32
        %scatter3A_481 = tpu.memref_slice %arg10[%scatter3A_477, %scatter3A_478, %scatter3A_479, %scatter3A_480] : memref<2x8x8x137xf32, #tpu.memory_space<vmem>> -> memref<1x8x8x137xf32, #tpu.memory_space<vmem>>
        %scatter3A_482 = tpu.memref_squeeze %scatter3A_481 : memref<1x8x8x137xf32, #tpu.memory_space<vmem>> -> memref<8x8x137xf32, #tpu.memory_space<vmem>>
        tpu.vector_store_idx %scatter3A_482[%shift_right_arithmetic3A_19, %and3A_42, %broadcast_in_dim3A_422], %get3A_471 : memref<8x8x137xf32, #tpu.memory_space<vmem>>[vector<16xi32>, vector<16xi32>, vector<16xi32>], vector<16xf32>,
        %scatter3A_483 = arith.constant 0 : i32
        %scatter3A_484 = arith.constant 0 : i32
        %scatter3A_485 = arith.constant 0 : i32
        %scatter3A_486 = arith.constant 0 : i32
        %scatter3A_487 = tpu.memref_slice %arg11[%scatter3A_483, %scatter3A_484, %scatter3A_485, %scatter3A_486] : memref<2x8x8x137xf32, #tpu.memory_space<vmem>> -> memref<1x8x8x137xf32, #tpu.memory_space<vmem>>
        %scatter3A_488 = tpu.memref_squeeze %scatter3A_487 : memref<1x8x8x137xf32, #tpu.memory_space<vmem>> -> memref<8x8x137xf32, #tpu.memory_space<vmem>>
        tpu.vector_store_idx %scatter3A_488[%shift_right_arithmetic3A_19, %and3A_42, %broadcast_in_dim3A_422], %get3A_476 : memref<8x8x137xf32, #tpu.memory_space<vmem>>[vector<16xi32>, vector<16xi32>, vector<16xi32>], vector<16xf32>,
        %get3A_489 = arith.constant 0 : i32
        %get3A_490 = arith.index_cast %get3A_489 : i32 to index
        %get3A_491 = arith.index_cast %scan3A_421 : i32 to index
        %get3A_492 = arith.constant 48 : index
        %get3A_493 = tpu.vector_load %arg8[%get3A_490, %get3A_491, %get3A_492] {strides = array<i32>} : memref<2x128x64xf32, #tpu.memory_space<vmem>>, vector<16xf32>,
        %get3A_494 = arith.constant 0 : i32
        %get3A_495 = arith.index_cast %get3A_494 : i32 to index
        %get3A_496 = arith.index_cast %scan3A_421 : i32 to index
        %get3A_497 = arith.constant 48 : index
        %get3A_498 = tpu.vector_load %arg9[%get3A_495, %get3A_496, %get3A_497] {strides = array<i32>} : memref<2x128x64xf32, #tpu.memory_space<vmem>>, vector<16xf32>,
        %scatter3A_499 = arith.constant 0 : i32
        %scatter3A_500 = arith.constant 0 : i32
        %scatter3A_501 = arith.constant 0 : i32
        %scatter3A_502 = arith.constant 0 : i32
        %scatter3A_503 = tpu.memref_slice %arg10[%scatter3A_499, %scatter3A_500, %scatter3A_501, %scatter3A_502] : memref<2x8x8x137xf32, #tpu.memory_space<vmem>> -> memref<1x8x8x137xf32, #tpu.memory_space<vmem>>
        %scatter3A_504 = tpu.memref_squeeze %scatter3A_503 : memref<1x8x8x137xf32, #tpu.memory_space<vmem>> -> memref<8x8x137xf32, #tpu.memory_space<vmem>>
        tpu.vector_store_idx %scatter3A_504[%shift_right_arithmetic3A_25, %and3A_48, %broadcast_in_dim3A_422], %get3A_493 : memref<8x8x137xf32, #tpu.memory_space<vmem>>[vector<16xi32>, vector<16xi32>, vector<16xi32>], vector<16xf32>,
        %scatter3A_505 = arith.constant 0 : i32
        %scatter3A_506 = arith.constant 0 : i32
        %scatter3A_507 = arith.constant 0 : i32
        %scatter3A_508 = arith.constant 0 : i32
        %scatter3A_509 = tpu.memref_slice %arg11[%scatter3A_505, %scatter3A_506, %scatter3A_507, %scatter3A_508] : memref<2x8x8x137xf32, #tpu.memory_space<vmem>> -> memref<1x8x8x137xf32, #tpu.memory_space<vmem>>
        %scatter3A_510 = tpu.memref_squeeze %scatter3A_509 : memref<1x8x8x137xf32, #tpu.memory_space<vmem>> -> memref<8x8x137xf32, #tpu.memory_space<vmem>>
        tpu.vector_store_idx %scatter3A_510[%shift_right_arithmetic3A_25, %and3A_48, %broadcast_in_dim3A_422], %get3A_498 : memref<8x8x137xf32, #tpu.memory_space<vmem>>[vector<16xi32>, vector<16xi32>, vector<16xi32>], vector<16xf32>,
        %scan3A_511 = arith.constant 2 : i32
        %scan3A_512 = arith.addi %scan3A_333, %scan3A_511 : i32
        %broadcast_in_dim3A_513 = vector.broadcast %scan3A_512 : i32 to vector<16xi32>
        %get3A_514 = arith.constant 0 : i32
        %get3A_515 = arith.index_cast %get3A_514 : i32 to index
        %get3A_516 = arith.index_cast %scan3A_512 : i32 to index
        %get3A_517 = arith.constant 0 : index
        %get3A_518 = tpu.vector_load %arg8[%get3A_515, %get3A_516, %get3A_517] {strides = array<i32>} : memref<2x128x64xf32, #tpu.memory_space<vmem>>, vector<16xf32>,
        %get3A_519 = arith.constant 0 : i32
        %get3A_520 = arith.index_cast %get3A_519 : i32 to index
        %get3A_521 = arith.index_cast %scan3A_512 : i32 to index
        %get3A_522 = arith.constant 0 : index
        %get3A_523 = tpu.vector_load %arg9[%get3A_520, %get3A_521, %get3A_522] {strides = array<i32>} : memref<2x128x64xf32, #tpu.memory_space<vmem>>, vector<16xf32>,
        %scatter3A_524 = arith.constant 0 : i32
        %scatter3A_525 = arith.constant 0 : i32
        %scatter3A_526 = arith.constant 0 : i32
        %scatter3A_527 = arith.constant 0 : i32
        %scatter3A_528 = tpu.memref_slice %arg10[%scatter3A_524, %scatter3A_525, %scatter3A_526, %scatter3A_527] : memref<2x8x8x137xf32, #tpu.memory_space<vmem>> -> memref<1x8x8x137xf32, #tpu.memory_space<vmem>>
        %scatter3A_529 = tpu.memref_squeeze %scatter3A_528 : memref<1x8x8x137xf32, #tpu.memory_space<vmem>> -> memref<8x8x137xf32, #tpu.memory_space<vmem>>
        tpu.vector_store_idx %scatter3A_529[%shift_right_arithmetic3A_7, %and3A_30, %broadcast_in_dim3A_513], %get3A_518 : memref<8x8x137xf32, #tpu.memory_space<vmem>>[vector<16xi32>, vector<16xi32>, vector<16xi32>], vector<16xf32>,
        %scatter3A_530 = arith.constant 0 : i32
        %scatter3A_531 = arith.constant 0 : i32
        %scatter3A_532 = arith.constant 0 : i32
        %scatter3A_533 = arith.constant 0 : i32
        %scatter3A_534 = tpu.memref_slice %arg11[%scatter3A_530, %scatter3A_531, %scatter3A_532, %scatter3A_533] : memref<2x8x8x137xf32, #tpu.memory_space<vmem>> -> memref<1x8x8x137xf32, #tpu.memory_space<vmem>>
        %scatter3A_535 = tpu.memref_squeeze %scatter3A_534 : memref<1x8x8x137xf32, #tpu.memory_space<vmem>> -> memref<8x8x137xf32, #tpu.memory_space<vmem>>
        tpu.vector_store_idx %scatter3A_535[%shift_right_arithmetic3A_7, %and3A_30, %broadcast_in_dim3A_513], %get3A_523 : memref<8x8x137xf32, #tpu.memory_space<vmem>>[vector<16xi32>, vector<16xi32>, vector<16xi32>], vector<16xf32>,
        %get3A_536 = arith.constant 0 : i32
        %get3A_537 = arith.index_cast %get3A_536 : i32 to index
        %get3A_538 = arith.index_cast %scan3A_512 : i32 to index
        %get3A_539 = arith.constant 16 : index
        %get3A_540 = tpu.vector_load %arg8[%get3A_537, %get3A_538, %get3A_539] {strides = array<i32>} : memref<2x128x64xf32, #tpu.memory_space<vmem>>, vector<16xf32>,
        %get3A_541 = arith.constant 0 : i32
        %get3A_542 = arith.index_cast %get3A_541 : i32 to index
        %get3A_543 = arith.index_cast %scan3A_512 : i32 to index
        %get3A_544 = arith.constant 16 : index
        %get3A_545 = tpu.vector_load %arg9[%get3A_542, %get3A_543, %get3A_544] {strides = array<i32>} : memref<2x128x64xf32, #tpu.memory_space<vmem>>, vector<16xf32>,
        %scatter3A_546 = arith.constant 0 : i32
        %scatter3A_547 = arith.constant 0 : i32
        %scatter3A_548 = arith.constant 0 : i32
        %scatter3A_549 = arith.constant 0 : i32
        %scatter3A_550 = tpu.memref_slice %arg10[%scatter3A_546, %scatter3A_547, %scatter3A_548, %scatter3A_549] : memref<2x8x8x137xf32, #tpu.memory_space<vmem>> -> memref<1x8x8x137xf32, #tpu.memory_space<vmem>>
        %scatter3A_551 = tpu.memref_squeeze %scatter3A_550 : memref<1x8x8x137xf32, #tpu.memory_space<vmem>> -> memref<8x8x137xf32, #tpu.memory_space<vmem>>
        tpu.vector_store_idx %scatter3A_551[%shift_right_arithmetic3A_13, %and3A_36, %broadcast_in_dim3A_513], %get3A_540 : memref<8x8x137xf32, #tpu.memory_space<vmem>>[vector<16xi32>, vector<16xi32>, vector<16xi32>], vector<16xf32>,
        %scatter3A_552 = arith.constant 0 : i32
        %scatter3A_553 = arith.constant 0 : i32
        %scatter3A_554 = arith.constant 0 : i32
        %scatter3A_555 = arith.constant 0 : i32
        %scatter3A_556 = tpu.memref_slice %arg11[%scatter3A_552, %scatter3A_553, %scatter3A_554, %scatter3A_555] : memref<2x8x8x137xf32, #tpu.memory_space<vmem>> -> memref<1x8x8x137xf32, #tpu.memory_space<vmem>>
        %scatter3A_557 = tpu.memref_squeeze %scatter3A_556 : memref<1x8x8x137xf32, #tpu.memory_space<vmem>> -> memref<8x8x137xf32, #tpu.memory_space<vmem>>
        tpu.vector_store_idx %scatter3A_557[%shift_right_arithmetic3A_13, %and3A_36, %broadcast_in_dim3A_513], %get3A_545 : memref<8x8x137xf32, #tpu.memory_space<vmem>>[vector<16xi32>, vector<16xi32>, vector<16xi32>], vector<16xf32>,
        %get3A_558 = arith.constant 0 : i32
        %get3A_559 = arith.index_cast %get3A_558 : i32 to index
        %get3A_560 = arith.index_cast %scan3A_512 : i32 to index
        %get3A_561 = arith.constant 32 : index
        %get3A_562 = tpu.vector_load %arg8[%get3A_559, %get3A_560, %get3A_561] {strides = array<i32>} : memref<2x128x64xf32, #tpu.memory_space<vmem>>, vector<16xf32>,
        %get3A_563 = arith.constant 0 : i32
        %get3A_564 = arith.index_cast %get3A_563 : i32 to index
        %get3A_565 = arith.index_cast %scan3A_512 : i32 to index
        %get3A_566 = arith.constant 32 : index
        %get3A_567 = tpu.vector_load %arg9[%get3A_564, %get3A_565, %get3A_566] {strides = array<i32>} : memref<2x128x64xf32, #tpu.memory_space<vmem>>, vector<16xf32>,
        %scatter3A_568 = arith.constant 0 : i32
        %scatter3A_569 = arith.constant 0 : i32
        %scatter3A_570 = arith.constant 0 : i32
        %scatter3A_571 = arith.constant 0 : i32
        %scatter3A_572 = tpu.memref_slice %arg10[%scatter3A_568, %scatter3A_569, %scatter3A_570, %scatter3A_571] : memref<2x8x8x137xf32, #tpu.memory_space<vmem>> -> memref<1x8x8x137xf32, #tpu.memory_space<vmem>>
        %scatter3A_573 = tpu.memref_squeeze %scatter3A_572 : memref<1x8x8x137xf32, #tpu.memory_space<vmem>> -> memref<8x8x137xf32, #tpu.memory_space<vmem>>
        tpu.vector_store_idx %scatter3A_573[%shift_right_arithmetic3A_19, %and3A_42, %broadcast_in_dim3A_513], %get3A_562 : memref<8x8x137xf32, #tpu.memory_space<vmem>>[vector<16xi32>, vector<16xi32>, vector<16xi32>], vector<16xf32>,
        %scatter3A_574 = arith.constant 0 : i32
        %scatter3A_575 = arith.constant 0 : i32
        %scatter3A_576 = arith.constant 0 : i32
        %scatter3A_577 = arith.constant 0 : i32
        %scatter3A_578 = tpu.memref_slice %arg11[%scatter3A_574, %scatter3A_575, %scatter3A_576, %scatter3A_577] : memref<2x8x8x137xf32, #tpu.memory_space<vmem>> -> memref<1x8x8x137xf32, #tpu.memory_space<vmem>>
        %scatter3A_579 = tpu.memref_squeeze %scatter3A_578 : memref<1x8x8x137xf32, #tpu.memory_space<vmem>> -> memref<8x8x137xf32, #tpu.memory_space<vmem>>
        tpu.vector_store_idx %scatter3A_579[%shift_right_arithmetic3A_19, %and3A_42, %broadcast_in_dim3A_513], %get3A_567 : memref<8x8x137xf32, #tpu.memory_space<vmem>>[vector<16xi32>, vector<16xi32>, vector<16xi32>], vector<16xf32>,
        %get3A_580 = arith.constant 0 : i32
        %get3A_581 = arith.index_cast %get3A_580 : i32 to index
        %get3A_582 = arith.index_cast %scan3A_512 : i32 to index
        %get3A_583 = arith.constant 48 : index
        %get3A_584 = tpu.vector_load %arg8[%get3A_581, %get3A_582, %get3A_583] {strides = array<i32>} : memref<2x128x64xf32, #tpu.memory_space<vmem>>, vector<16xf32>,
        %get3A_585 = arith.constant 0 : i32
        %get3A_586 = arith.index_cast %get3A_585 : i32 to index
        %get3A_587 = arith.index_cast %scan3A_512 : i32 to index
        %get3A_588 = arith.constant 48 : index
        %get3A_589 = tpu.vector_load %arg9[%get3A_586, %get3A_587, %get3A_588] {strides = array<i32>} : memref<2x128x64xf32, #tpu.memory_space<vmem>>, vector<16xf32>,
        %scatter3A_590 = arith.constant 0 : i32
        %scatter3A_591 = arith.constant 0 : i32
        %scatter3A_592 = arith.constant 0 : i32
        %scatter3A_593 = arith.constant 0 : i32
        %scatter3A_594 = tpu.memref_slice %arg10[%scatter3A_590, %scatter3A_591, %scatter3A_592, %scatter3A_593] : memref<2x8x8x137xf32, #tpu.memory_space<vmem>> -> memref<1x8x8x137xf32, #tpu.memory_space<vmem>>
        %scatter3A_595 = tpu.memref_squeeze %scatter3A_594 : memref<1x8x8x137xf32, #tpu.memory_space<vmem>> -> memref<8x8x137xf32, #tpu.memory_space<vmem>>
        tpu.vector_store_idx %scatter3A_595[%shift_right_arithmetic3A_25, %and3A_48, %broadcast_in_dim3A_513], %get3A_584 : memref<8x8x137xf32, #tpu.memory_space<vmem>>[vector<16xi32>, vector<16xi32>, vector<16xi32>], vector<16xf32>,
        %scatter3A_596 = arith.constant 0 : i32
        %scatter3A_597 = arith.constant 0 : i32
        %scatter3A_598 = arith.constant 0 : i32
        %scatter3A_599 = arith.constant 0 : i32
        %scatter3A_600 = tpu.memref_slice %arg11[%scatter3A_596, %scatter3A_597, %scatter3A_598, %scatter3A_599] : memref<2x8x8x137xf32, #tpu.memory_space<vmem>> -> memref<1x8x8x137xf32, #tpu.memory_space<vmem>>
        %scatter3A_601 = tpu.memref_squeeze %scatter3A_600 : memref<1x8x8x137xf32, #tpu.memory_space<vmem>> -> memref<8x8x137xf32, #tpu.memory_space<vmem>>
        tpu.vector_store_idx %scatter3A_601[%shift_right_arithmetic3A_25, %and3A_48, %broadcast_in_dim3A_513], %get3A_589 : memref<8x8x137xf32, #tpu.memory_space<vmem>>[vector<16xi32>, vector<16xi32>, vector<16xi32>], vector<16xf32>,
        %scan3A_602 = arith.constant 3 : i32
        %scan3A_603 = arith.addi %scan3A_333, %scan3A_602 : i32
        %broadcast_in_dim3A_604 = vector.broadcast %scan3A_603 : i32 to vector<16xi32>
        %get3A_605 = arith.constant 0 : i32
        %get3A_606 = arith.index_cast %get3A_605 : i32 to index
        %get3A_607 = arith.index_cast %scan3A_603 : i32 to index
        %get3A_608 = arith.constant 0 : index
        %get3A_609 = tpu.vector_load %arg8[%get3A_606, %get3A_607, %get3A_608] {strides = array<i32>} : memref<2x128x64xf32, #tpu.memory_space<vmem>>, vector<16xf32>,
        %get3A_610 = arith.constant 0 : i32
        %get3A_611 = arith.index_cast %get3A_610 : i32 to index
        %get3A_612 = arith.index_cast %scan3A_603 : i32 to index
        %get3A_613 = arith.constant 0 : index
        %get3A_614 = tpu.vector_load %arg9[%get3A_611, %get3A_612, %get3A_613] {strides = array<i32>} : memref<2x128x64xf32, #tpu.memory_space<vmem>>, vector<16xf32>,
        %scatter3A_615 = arith.constant 0 : i32
        %scatter3A_616 = arith.constant 0 : i32
        %scatter3A_617 = arith.constant 0 : i32
        %scatter3A_618 = arith.constant 0 : i32
        %scatter3A_619 = tpu.memref_slice %arg10[%scatter3A_615, %scatter3A_616, %scatter3A_617, %scatter3A_618] : memref<2x8x8x137xf32, #tpu.memory_space<vmem>> -> memref<1x8x8x137xf32, #tpu.memory_space<vmem>>
        %scatter3A_620 = tpu.memref_squeeze %scatter3A_619 : memref<1x8x8x137xf32, #tpu.memory_space<vmem>> -> memref<8x8x137xf32, #tpu.memory_space<vmem>>
        tpu.vector_store_idx %scatter3A_620[%shift_right_arithmetic3A_7, %and3A_30, %broadcast_in_dim3A_604], %get3A_609 : memref<8x8x137xf32, #tpu.memory_space<vmem>>[vector<16xi32>, vector<16xi32>, vector<16xi32>], vector<16xf32>,
        %scatter3A_621 = arith.constant 0 : i32
        %scatter3A_622 = arith.constant 0 : i32
        %scatter3A_623 = arith.constant 0 : i32
        %scatter3A_624 = arith.constant 0 : i32
        %scatter3A_625 = tpu.memref_slice %arg11[%scatter3A_621, %scatter3A_622, %scatter3A_623, %scatter3A_624] : memref<2x8x8x137xf32, #tpu.memory_space<vmem>> -> memref<1x8x8x137xf32, #tpu.memory_space<vmem>>
        %scatter3A_626 = tpu.memref_squeeze %scatter3A_625 : memref<1x8x8x137xf32, #tpu.memory_space<vmem>> -> memref<8x8x137xf32, #tpu.memory_space<vmem>>
        tpu.vector_store_idx %scatter3A_626[%shift_right_arithmetic3A_7, %and3A_30, %broadcast_in_dim3A_604], %get3A_614 : memref<8x8x137xf32, #tpu.memory_space<vmem>>[vector<16xi32>, vector<16xi32>, vector<16xi32>], vector<16xf32>,
        %get3A_627 = arith.constant 0 : i32
        %get3A_628 = arith.index_cast %get3A_627 : i32 to index
        %get3A_629 = arith.index_cast %scan3A_603 : i32 to index
        %get3A_630 = arith.constant 16 : index
        %get3A_631 = tpu.vector_load %arg8[%get3A_628, %get3A_629, %get3A_630] {strides = array<i32>} : memref<2x128x64xf32, #tpu.memory_space<vmem>>, vector<16xf32>,
        %get3A_632 = arith.constant 0 : i32
        %get3A_633 = arith.index_cast %get3A_632 : i32 to index
        %get3A_634 = arith.index_cast %scan3A_603 : i32 to index
        %get3A_635 = arith.constant 16 : index
        %get3A_636 = tpu.vector_load %arg9[%get3A_633, %get3A_634, %get3A_635] {strides = array<i32>} : memref<2x128x64xf32, #tpu.memory_space<vmem>>, vector<16xf32>,
        %scatter3A_637 = arith.constant 0 : i32
        %scatter3A_638 = arith.constant 0 : i32
        %scatter3A_639 = arith.constant 0 : i32
        %scatter3A_640 = arith.constant 0 : i32
        %scatter3A_641 = tpu.memref_slice %arg10[%scatter3A_637, %scatter3A_638, %scatter3A_639, %scatter3A_640] : memref<2x8x8x137xf32, #tpu.memory_space<vmem>> -> memref<1x8x8x137xf32, #tpu.memory_space<vmem>>
        %scatter3A_642 = tpu.memref_squeeze %scatter3A_641 : memref<1x8x8x137xf32, #tpu.memory_space<vmem>> -> memref<8x8x137xf32, #tpu.memory_space<vmem>>
        tpu.vector_store_idx %scatter3A_642[%shift_right_arithmetic3A_13, %and3A_36, %broadcast_in_dim3A_604], %get3A_631 : memref<8x8x137xf32, #tpu.memory_space<vmem>>[vector<16xi32>, vector<16xi32>, vector<16xi32>], vector<16xf32>,
        %scatter3A_643 = arith.constant 0 : i32
        %scatter3A_644 = arith.constant 0 : i32
        %scatter3A_645 = arith.constant 0 : i32
        %scatter3A_646 = arith.constant 0 : i32
        %scatter3A_647 = tpu.memref_slice %arg11[%scatter3A_643, %scatter3A_644, %scatter3A_645, %scatter3A_646] : memref<2x8x8x137xf32, #tpu.memory_space<vmem>> -> memref<1x8x8x137xf32, #tpu.memory_space<vmem>>
        %scatter3A_648 = tpu.memref_squeeze %scatter3A_647 : memref<1x8x8x137xf32, #tpu.memory_space<vmem>> -> memref<8x8x137xf32, #tpu.memory_space<vmem>>
        tpu.vector_store_idx %scatter3A_648[%shift_right_arithmetic3A_13, %and3A_36, %broadcast_in_dim3A_604], %get3A_636 : memref<8x8x137xf32, #tpu.memory_space<vmem>>[vector<16xi32>, vector<16xi32>, vector<16xi32>], vector<16xf32>,
        %get3A_649 = arith.constant 0 : i32
        %get3A_650 = arith.index_cast %get3A_649 : i32 to index
        %get3A_651 = arith.index_cast %scan3A_603 : i32 to index
        %get3A_652 = arith.constant 32 : index
        %get3A_653 = tpu.vector_load %arg8[%get3A_650, %get3A_651, %get3A_652] {strides = array<i32>} : memref<2x128x64xf32, #tpu.memory_space<vmem>>, vector<16xf32>,
        %get3A_654 = arith.constant 0 : i32
        %get3A_655 = arith.index_cast %get3A_654 : i32 to index
        %get3A_656 = arith.index_cast %scan3A_603 : i32 to index
        %get3A_657 = arith.constant 32 : index
        %get3A_658 = tpu.vector_load %arg9[%get3A_655, %get3A_656, %get3A_657] {strides = array<i32>} : memref<2x128x64xf32, #tpu.memory_space<vmem>>, vector<16xf32>,
        %scatter3A_659 = arith.constant 0 : i32
        %scatter3A_660 = arith.constant 0 : i32
        %scatter3A_661 = arith.constant 0 : i32
        %scatter3A_662 = arith.constant 0 : i32
        %scatter3A_663 = tpu.memref_slice %arg10[%scatter3A_659, %scatter3A_660, %scatter3A_661, %scatter3A_662] : memref<2x8x8x137xf32, #tpu.memory_space<vmem>> -> memref<1x8x8x137xf32, #tpu.memory_space<vmem>>
        %scatter3A_664 = tpu.memref_squeeze %scatter3A_663 : memref<1x8x8x137xf32, #tpu.memory_space<vmem>> -> memref<8x8x137xf32, #tpu.memory_space<vmem>>
        tpu.vector_store_idx %scatter3A_664[%shift_right_arithmetic3A_19, %and3A_42, %broadcast_in_dim3A_604], %get3A_653 : memref<8x8x137xf32, #tpu.memory_space<vmem>>[vector<16xi32>, vector<16xi32>, vector<16xi32>], vector<16xf32>,
        %scatter3A_665 = arith.constant 0 : i32
        %scatter3A_666 = arith.constant 0 : i32
        %scatter3A_667 = arith.constant 0 : i32
        %scatter3A_668 = arith.constant 0 : i32
        %scatter3A_669 = tpu.memref_slice %arg11[%scatter3A_665, %scatter3A_666, %scatter3A_667, %scatter3A_668] : memref<2x8x8x137xf32, #tpu.memory_space<vmem>> -> memref<1x8x8x137xf32, #tpu.memory_space<vmem>>
        %scatter3A_670 = tpu.memref_squeeze %scatter3A_669 : memref<1x8x8x137xf32, #tpu.memory_space<vmem>> -> memref<8x8x137xf32, #tpu.memory_space<vmem>>
        tpu.vector_store_idx %scatter3A_670[%shift_right_arithmetic3A_19, %and3A_42, %broadcast_in_dim3A_604], %get3A_658 : memref<8x8x137xf32, #tpu.memory_space<vmem>>[vector<16xi32>, vector<16xi32>, vector<16xi32>], vector<16xf32>,
        %get3A_671 = arith.constant 0 : i32
        %get3A_672 = arith.index_cast %get3A_671 : i32 to index
        %get3A_673 = arith.index_cast %scan3A_603 : i32 to index
        %get3A_674 = arith.constant 48 : index
        %get3A_675 = tpu.vector_load %arg8[%get3A_672, %get3A_673, %get3A_674] {strides = array<i32>} : memref<2x128x64xf32, #tpu.memory_space<vmem>>, vector<16xf32>,
        %get3A_676 = arith.constant 0 : i32
        %get3A_677 = arith.index_cast %get3A_676 : i32 to index
        %get3A_678 = arith.index_cast %scan3A_603 : i32 to index
        %get3A_679 = arith.constant 48 : index
        %get3A_680 = tpu.vector_load %arg9[%get3A_677, %get3A_678, %get3A_679] {strides = array<i32>} : memref<2x128x64xf32, #tpu.memory_space<vmem>>, vector<16xf32>,
        %scatter3A_681 = arith.constant 0 : i32
        %scatter3A_682 = arith.constant 0 : i32
        %scatter3A_683 = arith.constant 0 : i32
        %scatter3A_684 = arith.constant 0 : i32
        %scatter3A_685 = tpu.memref_slice %arg10[%scatter3A_681, %scatter3A_682, %scatter3A_683, %scatter3A_684] : memref<2x8x8x137xf32, #tpu.memory_space<vmem>> -> memref<1x8x8x137xf32, #tpu.memory_space<vmem>>
        %scatter3A_686 = tpu.memref_squeeze %scatter3A_685 : memref<1x8x8x137xf32, #tpu.memory_space<vmem>> -> memref<8x8x137xf32, #tpu.memory_space<vmem>>
        tpu.vector_store_idx %scatter3A_686[%shift_right_arithmetic3A_25, %and3A_48, %broadcast_in_dim3A_604], %get3A_675 : memref<8x8x137xf32, #tpu.memory_space<vmem>>[vector<16xi32>, vector<16xi32>, vector<16xi32>], vector<16xf32>,
        %scatter3A_687 = arith.constant 0 : i32
        %scatter3A_688 = arith.constant 0 : i32
        %scatter3A_689 = arith.constant 0 : i32
        %scatter3A_690 = arith.constant 0 : i32
        %scatter3A_691 = tpu.memref_slice %arg11[%scatter3A_687, %scatter3A_688, %scatter3A_689, %scatter3A_690] : memref<2x8x8x137xf32, #tpu.memory_space<vmem>> -> memref<1x8x8x137xf32, #tpu.memory_space<vmem>>
        %scatter3A_692 = tpu.memref_squeeze %scatter3A_691 : memref<1x8x8x137xf32, #tpu.memory_space<vmem>> -> memref<8x8x137xf32, #tpu.memory_space<vmem>>
        tpu.vector_store_idx %scatter3A_692[%shift_right_arithmetic3A_25, %and3A_48, %broadcast_in_dim3A_604], %get3A_680 : memref<8x8x137xf32, #tpu.memory_space<vmem>>[vector<16xi32>, vector<16xi32>, vector<16xi32>], vector<16xf32>,
      }
      %scan3A_204 = arith.constant 128 : i32
      %dma_start3A_205 = arith.constant 0 : i32
      %dma_start3A_206 = arith.constant 0 : i32
      %dma_start3A_207 = arith.constant 0 : i32
      %dma_start3A_208 = arith.constant 0 : i32
      %dma_start3A_209 = tpu.memref_slice %arg10[%dma_start3A_205, %dma_start3A_206, %dma_start3A_207, %dma_start3A_208] : memref<2x8x8x137xf32, #tpu.memory_space<vmem>> -> memref<1x8x8x128xf32, #tpu.memory_space<vmem>>
      %dma_start3A_210 = tpu.memref_squeeze %dma_start3A_209 : memref<1x8x8x128xf32, #tpu.memory_space<vmem>> -> memref<8x8x128xf32, #tpu.memory_space<vmem>>
      %dma_start3A_211 = arith.constant 0 : i32
      %dma_start3A_212 = arith.constant 0 : i32
      %dma_start3A_213 = arith.constant 0 : i32
      %dma_start3A_214 = tpu.memref_slice %arg5[%add3A_168, %dma_start3A_211, %add3A, %dma_start3A_212, %dma_start3A_213] : memref<50x8x32x8x128xf32, #tpu.memory_space<hbm>> -> memref<1x8x1x8x128xf32, #tpu.memory_space<hbm>>
      %dma_start3A_215 = tpu.memref_squeeze %dma_start3A_214 : memref<1x8x1x8x128xf32, #tpu.memory_space<hbm>> -> memref<8x8x128xf32, #tpu.memory_space<hbm>>
      %dma_start3A_216 = arith.constant 0 : i32
      %dma_start3A_217 = arith.constant 0 : i32
      %dma_start3A_218 = arith.constant 0 : i32
      %dma_start3A_219 = tpu.memref_slice %arg5[%add3A_168, %dma_start3A_216, %add3A, %dma_start3A_217, %dma_start3A_218] : memref<50x8x32x8x128xf32, #tpu.memory_space<hbm>> -> memref<1x8x1x8x128xf32, #tpu.memory_space<hbm>>
      %dma_start3A_220 = tpu.memref_squeeze %dma_start3A_219 : memref<1x8x1x8x128xf32, #tpu.memory_space<hbm>> -> memref<8x8x128xf32, #tpu.memory_space<hbm>>
      %dma_start3A_221 = arith.constant 0 : i32
      %dma_start3A_222 = arith.constant 0 : i32
      %dma_start3A_223 = arith.constant 0 : i32
      %dma_start3A_224 = tpu.memref_slice %arg10[%dma_start3A_205, %dma_start3A_221, %dma_start3A_222, %dma_start3A_223] : memref<2x8x8x137xf32, #tpu.memory_space<vmem>> -> memref<1x8x8x128xf32, #tpu.memory_space<vmem>>
      %dma_start3A_225 = tpu.memref_squeeze %dma_start3A_224 : memref<1x8x8x128xf32, #tpu.memory_space<vmem>> -> memref<8x8x128xf32, #tpu.memory_space<vmem>>
      tpu.enqueue_dma source(%dma_start3A_225 : memref<8x8x128xf32, #tpu.memory_space<vmem>>) target(%dma_start3A_220 : memref<8x8x128xf32, #tpu.memory_space<hbm>>) target_semaphore(%arg14 : memref<!tpu.dma_semaphore, #tpu.memory_space<semaphore_mem>>)
      %dma_start3A_226 = arith.constant 0 : i32
      %dma_start3A_227 = arith.constant 0 : i32
      %dma_start3A_228 = arith.constant 0 : i32
      %dma_start3A_229 = arith.constant 0 : i32
      %dma_start3A_230 = tpu.memref_slice %arg11[%dma_start3A_226, %dma_start3A_227, %dma_start3A_228, %dma_start3A_229] : memref<2x8x8x137xf32, #tpu.memory_space<vmem>> -> memref<1x8x8x128xf32, #tpu.memory_space<vmem>>
      %dma_start3A_231 = tpu.memref_squeeze %dma_start3A_230 : memref<1x8x8x128xf32, #tpu.memory_space<vmem>> -> memref<8x8x128xf32, #tpu.memory_space<vmem>>
      %dma_start3A_232 = arith.constant 0 : i32
      %dma_start3A_233 = arith.constant 0 : i32
      %dma_start3A_234 = arith.constant 0 : i32
      %dma_start3A_235 = tpu.memref_slice %arg6[%add3A_168, %dma_start3A_232, %add3A, %dma_start3A_233, %dma_start3A_234] : memref<50x8x32x8x128xf32, #tpu.memory_space<hbm>> -> memref<1x8x1x8x128xf32, #tpu.memory_space<hbm>>
      %dma_start3A_236 = tpu.memref_squeeze %dma_start3A_235 : memref<1x8x1x8x128xf32, #tpu.memory_space<hbm>> -> memref<8x8x128xf32, #tpu.memory_space<hbm>>
      %dma_start3A_237 = arith.constant 0 : i32
      %dma_start3A_238 = arith.constant 0 : i32
      %dma_start3A_239 = arith.constant 0 : i32
      %dma_start3A_240 = tpu.memref_slice %arg6[%add3A_168, %dma_start3A_237, %add3A, %dma_start3A_238, %dma_start3A_239] : memref<50x8x32x8x128xf32, #tpu.memory_space<hbm>> -> memref<1x8x1x8x128xf32, #tpu.memory_space<hbm>>
      %dma_start3A_241 = tpu.memref_squeeze %dma_start3A_240 : memref<1x8x1x8x128xf32, #tpu.memory_space<hbm>> -> memref<8x8x128xf32, #tpu.memory_space<hbm>>
      %dma_start3A_242 = arith.constant 0 : i32
      %dma_start3A_243 = arith.constant 0 : i32
      %dma_start3A_244 = arith.constant 0 : i32
      %dma_start3A_245 = tpu.memref_slice %arg11[%dma_start3A_226, %dma_start3A_242, %dma_start3A_243, %dma_start3A_244] : memref<2x8x8x137xf32, #tpu.memory_space<vmem>> -> memref<1x8x8x128xf32, #tpu.memory_space<vmem>>
      %dma_start3A_246 = tpu.memref_squeeze %dma_start3A_245 : memref<1x8x8x128xf32, #tpu.memory_space<vmem>> -> memref<8x8x128xf32, #tpu.memory_space<vmem>>
      tpu.enqueue_dma source(%dma_start3A_246 : memref<8x8x128xf32, #tpu.memory_space<vmem>>) target(%dma_start3A_241 : memref<8x8x128xf32, #tpu.memory_space<hbm>>) target_semaphore(%arg14 : memref<!tpu.dma_semaphore, #tpu.memory_space<semaphore_mem>>)
      %mul3A_247 = arith.constant 2 : i32
      %mul3A_248 = arith.muli %mul3A_247, %scan3A_164 : i32
      %add3A_249 = arith.constant 1 : i32
      %add3A_250 = arith.addi %mul3A_248, %add3A_249 : i32
      %add3A_251 = arith.constant 1 : i32
      %add3A_252 = arith.addi %add3A_250, %add3A_251 : i32
      %lt3A_253 = arith.constant 50 : i32
      %lt3A_254 = arith.cmpi slt, %add3A_252, %lt3A_253 : i32
      %convert_element_type3A_255 = arith.extui %lt3A_254 : i1 to i32
      %cond3A_256 = arith.constant 0 : i32
      %cond3A_257 = arith.cmpi ne, %convert_element_type3A_255, %cond3A_256 : i32
      scf.if %cond3A_257 {
        %add3A_333 = arith.constant 1 : i32
        %add3A_334 = arith.addi %add3A_250, %add3A_333 : i32
        %dma_start3A_335 = arith.constant 0 : i32
        %dma_start3A_336 = arith.constant 0 : i32
        %dma_start3A_337 = arith.constant 0 : i32
        %dma_start3A_338 = tpu.memref_slice %arg8[%dma_start3A_335, %dma_start3A_336, %dma_start3A_337] : memref<2x128x64xf32, #tpu.memory_space<vmem>> -> memref<1x128x64xf32, #tpu.memory_space<vmem>>
        %dma_start3A_339 = tpu.memref_squeeze %dma_start3A_338 : memref<1x128x64xf32, #tpu.memory_space<vmem>> -> memref<128x64xf32, #tpu.memory_space<vmem>>
        %dma_start3A_340 = arith.constant 0 : i32
        %dma_start3A_341 = tpu.memref_slice %arg7[%add3A_334, %dma_start3A_340] : memref<50x128xi32, #tpu.memory_space<vmem>> -> memref<1x128xi32, #tpu.memory_space<vmem>>
        %dma_start3A_342 = tpu.memref_squeeze %dma_start3A_341 : memref<1x128xi32, #tpu.memory_space<vmem>> -> memref<128xi32, #tpu.memory_space<vmem>>
        %dma_start3A_343 = arith.constant 0 : i32
        %dma_start3A_344 = arith.constant 0 : i32
        %dma_start3A_345 = tpu.memref_slice %arg3[%dma_start3A_343, %dma_start3A_344] : memref<100000x64xf32, #tpu.memory_space<hbm>> -> memref<100000x64xf32, #tpu.memory_space<hbm>>
        tpu.enqueue_indirect_dma source(%dma_start3A_345 : memref<100000x64xf32, #tpu.memory_space<hbm>>) target(%dma_start3A_339 : memref<128x64xf32, #tpu.memory_space<vmem>>) offsets(%dma_start3A_342 : memref<128xi32, #tpu.memory_space<vmem>>) semaphore(%arg12 : memref<!tpu.dma_semaphore, #tpu.memory_space<semaphore_mem>>)
        %dma_start3A_346 = arith.constant 0 : i32
        %dma_start3A_347 = arith.constant 0 : i32
        %dma_start3A_348 = arith.constant 0 : i32
        %dma_start3A_349 = tpu.memref_slice %arg9[%dma_start3A_346, %dma_start3A_347, %dma_start3A_348] : memref<2x128x64xf32, #tpu.memory_space<vmem>> -> memref<1x128x64xf32, #tpu.memory_space<vmem>>
        %dma_start3A_350 = tpu.memref_squeeze %dma_start3A_349 : memref<1x128x64xf32, #tpu.memory_space<vmem>> -> memref<128x64xf32, #tpu.memory_space<vmem>>
        %dma_start3A_351 = arith.constant 0 : i32
        %dma_start3A_352 = tpu.memref_slice %arg7[%add3A_334, %dma_start3A_351] : memref<50x128xi32, #tpu.memory_space<vmem>> -> memref<1x128xi32, #tpu.memory_space<vmem>>
        %dma_start3A_353 = tpu.memref_squeeze %dma_start3A_352 : memref<1x128xi32, #tpu.memory_space<vmem>> -> memref<128xi32, #tpu.memory_space<vmem>>
        %dma_start3A_354 = arith.constant 0 : i32
        %dma_start3A_355 = arith.constant 0 : i32
        %dma_start3A_356 = tpu.memref_slice %arg4[%dma_start3A_354, %dma_start3A_355] : memref<100000x64xf32, #tpu.memory_space<hbm>> -> memref<100000x64xf32, #tpu.memory_space<hbm>>
        tpu.enqueue_indirect_dma source(%dma_start3A_356 : memref<100000x64xf32, #tpu.memory_space<hbm>>) target(%dma_start3A_350 : memref<128x64xf32, #tpu.memory_space<vmem>>) offsets(%dma_start3A_353 : memref<128xi32, #tpu.memory_space<vmem>>) semaphore(%arg12 : memref<!tpu.dma_semaphore, #tpu.memory_space<semaphore_mem>>)
      } else {
      }
      %ge3A_258 = arith.constant 2 : i32
      %ge3A_259 = arith.cmpi sge, %add3A_250, %ge3A_258 : i32
      %convert_element_type3A_260 = arith.extui %ge3A_259 : i1 to i32
      %cond3A_261 = arith.constant 0 : i32
      %cond3A_262 = arith.cmpi ne, %convert_element_type3A_260, %cond3A_261 : i32
      scf.if %cond3A_262 {
        %sub3A = arith.constant 2 : i32
        %sub3A_333 = arith.subi %add3A_250, %sub3A : i32
        %dma_wait3A_334 = arith.constant 1 : i32
        %dma_wait3A_335 = arith.constant 0 : i32
        %dma_wait3A_336 = arith.constant 0 : i32
        %dma_wait3A_337 = arith.constant 0 : i32
        %dma_wait3A_338 = tpu.memref_slice %arg10[%dma_wait3A_334, %dma_wait3A_335, %dma_wait3A_336, %dma_wait3A_337] : memref<2x8x8x137xf32, #tpu.memory_space<vmem>> -> memref<1x8x8x128xf32, #tpu.memory_space<vmem>>
        %dma_wait3A_339 = tpu.memref_squeeze %dma_wait3A_338 : memref<1x8x8x128xf32, #tpu.memory_space<vmem>> -> memref<8x8x128xf32, #tpu.memory_space<vmem>>
        %dma_wait3A_340 = arith.constant 0 : i32
        %dma_wait3A_341 = arith.constant 0 : i32
        %dma_wait3A_342 = arith.constant 0 : i32
        %dma_wait3A_343 = tpu.memref_slice %arg5[%sub3A_333, %dma_wait3A_340, %add3A, %dma_wait3A_341, %dma_wait3A_342] : memref<50x8x32x8x128xf32, #tpu.memory_space<hbm>> -> memref<1x8x1x8x128xf32, #tpu.memory_space<hbm>>
        %dma_wait3A_344 = tpu.memref_squeeze %dma_wait3A_343 : memref<1x8x1x8x128xf32, #tpu.memory_space<hbm>> -> memref<8x8x128xf32, #tpu.memory_space<hbm>>
        %dma_wait3A_345 = arith.constant 0 : i32
        %dma_wait3A_346 = arith.constant 0 : i32
        %dma_wait3A_347 = arith.constant 0 : i32
        %dma_wait3A_348 = tpu.memref_slice %arg5[%sub3A_333, %dma_wait3A_345, %add3A, %dma_wait3A_346, %dma_wait3A_347] : memref<50x8x32x8x128xf32, #tpu.memory_space<hbm>> -> memref<1x8x1x8x128xf32, #tpu.memory_space<hbm>>
        %dma_wait3A_349 = tpu.memref_squeeze %dma_wait3A_348 : memref<1x8x1x8x128xf32, #tpu.memory_space<hbm>> -> memref<8x8x128xf32, #tpu.memory_space<hbm>>
        %dma_wait3A_350 = arith.constant 0 : i32
        %dma_wait3A_351 = arith.constant 0 : i32
        %dma_wait3A_352 = arith.constant 0 : i32
        %dma_wait3A_353 = tpu.memref_slice %arg10[%dma_wait3A_334, %dma_wait3A_350, %dma_wait3A_351, %dma_wait3A_352] : memref<2x8x8x137xf32, #tpu.memory_space<vmem>> -> memref<1x8x8x128xf32, #tpu.memory_space<vmem>>
        %dma_wait3A_354 = tpu.memref_squeeze %dma_wait3A_353 : memref<1x8x8x128xf32, #tpu.memory_space<vmem>> -> memref<8x8x128xf32, #tpu.memory_space<vmem>>
        tpu.wait_dma2 semaphore(%arg15 : memref<!tpu.dma_semaphore, #tpu.memory_space<semaphore_mem>>) src(%dma_wait3A_354 : memref<8x8x128xf32, #tpu.memory_space<vmem>>) dst(%dma_wait3A_349 : memref<8x8x128xf32, #tpu.memory_space<hbm>>)
        %dma_wait3A_355 = arith.constant 1 : i32
        %dma_wait3A_356 = arith.constant 0 : i32
        %dma_wait3A_357 = arith.constant 0 : i32
        %dma_wait3A_358 = arith.constant 0 : i32
        %dma_wait3A_359 = tpu.memref_slice %arg11[%dma_wait3A_355, %dma_wait3A_356, %dma_wait3A_357, %dma_wait3A_358] : memref<2x8x8x137xf32, #tpu.memory_space<vmem>> -> memref<1x8x8x128xf32, #tpu.memory_space<vmem>>
        %dma_wait3A_360 = tpu.memref_squeeze %dma_wait3A_359 : memref<1x8x8x128xf32, #tpu.memory_space<vmem>> -> memref<8x8x128xf32, #tpu.memory_space<vmem>>
        %dma_wait3A_361 = arith.constant 0 : i32
        %dma_wait3A_362 = arith.constant 0 : i32
        %dma_wait3A_363 = arith.constant 0 : i32
        %dma_wait3A_364 = tpu.memref_slice %arg6[%sub3A_333, %dma_wait3A_361, %add3A, %dma_wait3A_362, %dma_wait3A_363] : memref<50x8x32x8x128xf32, #tpu.memory_space<hbm>> -> memref<1x8x1x8x128xf32, #tpu.memory_space<hbm>>
        %dma_wait3A_365 = tpu.memref_squeeze %dma_wait3A_364 : memref<1x8x1x8x128xf32, #tpu.memory_space<hbm>> -> memref<8x8x128xf32, #tpu.memory_space<hbm>>
        %dma_wait3A_366 = arith.constant 0 : i32
        %dma_wait3A_367 = arith.constant 0 : i32
        %dma_wait3A_368 = arith.constant 0 : i32
        %dma_wait3A_369 = tpu.memref_slice %arg6[%sub3A_333, %dma_wait3A_366, %add3A, %dma_wait3A_367, %dma_wait3A_368] : memref<50x8x32x8x128xf32, #tpu.memory_space<hbm>> -> memref<1x8x1x8x128xf32, #tpu.memory_space<hbm>>
        %dma_wait3A_370 = tpu.memref_squeeze %dma_wait3A_369 : memref<1x8x1x8x128xf32, #tpu.memory_space<hbm>> -> memref<8x8x128xf32, #tpu.memory_space<hbm>>
        %dma_wait3A_371 = arith.constant 0 : i32
        %dma_wait3A_372 = arith.constant 0 : i32
        %dma_wait3A_373 = arith.constant 0 : i32
        %dma_wait3A_374 = tpu.memref_slice %arg11[%dma_wait3A_355, %dma_wait3A_371, %dma_wait3A_372, %dma_wait3A_373] : memref<2x8x8x137xf32, #tpu.memory_space<vmem>> -> memref<1x8x8x128xf32, #tpu.memory_space<vmem>>
        %dma_wait3A_375 = tpu.memref_squeeze %dma_wait3A_374 : memref<1x8x8x128xf32, #tpu.memory_space<vmem>> -> memref<8x8x128xf32, #tpu.memory_space<vmem>>
        tpu.wait_dma2 semaphore(%arg15 : memref<!tpu.dma_semaphore, #tpu.memory_space<semaphore_mem>>) src(%dma_wait3A_375 : memref<8x8x128xf32, #tpu.memory_space<vmem>>) dst(%dma_wait3A_370 : memref<8x8x128xf32, #tpu.memory_space<hbm>>)
      } else {
      }
      %dma_wait3A_263 = arith.constant 1 : i32
      %dma_wait3A_264 = arith.constant 0 : i32
      %dma_wait3A_265 = arith.constant 0 : i32
      %dma_wait3A_266 = tpu.memref_slice %arg8[%dma_wait3A_263, %dma_wait3A_264, %dma_wait3A_265] : memref<2x128x64xf32, #tpu.memory_space<vmem>> -> memref<1x128x64xf32, #tpu.memory_space<vmem>>
      %dma_wait3A_267 = tpu.memref_squeeze %dma_wait3A_266 : memref<1x128x64xf32, #tpu.memory_space<vmem>> -> memref<128x64xf32, #tpu.memory_space<vmem>>
      %dma_wait3A_268 = arith.constant 0 : i32
      %dma_wait3A_269 = tpu.memref_slice %arg7[%add3A_250, %dma_wait3A_268] : memref<50x128xi32, #tpu.memory_space<vmem>> -> memref<1x128xi32, #tpu.memory_space<vmem>>
      %dma_wait3A_270 = tpu.memref_squeeze %dma_wait3A_269 : memref<1x128xi32, #tpu.memory_space<vmem>> -> memref<128xi32, #tpu.memory_space<vmem>>
      %dma_wait3A_271 = arith.constant 0 : i32
      %dma_wait3A_272 = arith.constant 0 : i32
      %dma_wait3A_273 = tpu.memref_slice %arg3[%dma_wait3A_271, %dma_wait3A_272] : memref<100000x64xf32, #tpu.memory_space<hbm>> -> memref<100000x64xf32, #tpu.memory_space<hbm>>
      tpu.wait_indirect_dma semaphore(%arg13 : memref<!tpu.dma_semaphore, #tpu.memory_space<semaphore_mem>>) src(%dma_wait3A_273 : memref<100000x64xf32, #tpu.memory_space<hbm>>) dst(%dma_wait3A_267 : memref<128x64xf32, #tpu.memory_space<vmem>>)
      %dma_wait3A_274 = arith.constant 1 : i32
      %dma_wait3A_275 = arith.constant 0 : i32
      %dma_wait3A_276 = arith.constant 0 : i32
      %dma_wait3A_277 = tpu.memref_slice %arg9[%dma_wait3A_274, %dma_wait3A_275, %dma_wait3A_276] : memref<2x128x64xf32, #tpu.memory_space<vmem>> -> memref<1x128x64xf32, #tpu.memory_space<vmem>>
      %dma_wait3A_278 = tpu.memref_squeeze %dma_wait3A_277 : memref<1x128x64xf32, #tpu.memory_space<vmem>> -> memref<128x64xf32, #tpu.memory_space<vmem>>
      %dma_wait3A_279 = arith.constant 0 : i32
      %dma_wait3A_280 = tpu.memref_slice %arg7[%add3A_250, %dma_wait3A_279] : memref<50x128xi32, #tpu.memory_space<vmem>> -> memref<1x128xi32, #tpu.memory_space<vmem>>
      %dma_wait3A_281 = tpu.memref_squeeze %dma_wait3A_280 : memref<1x128xi32, #tpu.memory_space<vmem>> -> memref<128xi32, #tpu.memory_space<vmem>>
      %dma_wait3A_282 = arith.constant 0 : i32
      %dma_wait3A_283 = arith.constant 0 : i32
      %dma_wait3A_284 = tpu.memref_slice %arg4[%dma_wait3A_282, %dma_wait3A_283] : memref<100000x64xf32, #tpu.memory_space<hbm>> -> memref<100000x64xf32, #tpu.memory_space<hbm>>
      tpu.wait_indirect_dma semaphore(%arg13 : memref<!tpu.dma_semaphore, #tpu.memory_space<semaphore_mem>>) src(%dma_wait3A_284 : memref<100000x64xf32, #tpu.memory_space<hbm>>) dst(%dma_wait3A_278 : memref<128x64xf32, #tpu.memory_space<vmem>>)
      %scan3A_285 = arith.constant 0 : i32
      %scan3A_286 = arith.constant 0 : i32
      %scan3A_287 = arith.constant 128 : i32
      %scan3A_288 = arith.addi %scan3A_286, %scan3A_287 : i32
      %scan3A_289 = arith.constant 4 : i32
      scf.for %scan3A_333 = %scan3A_286 to %scan3A_288 step %scan3A_289  : i32 {
        %broadcast_in_dim3A = vector.broadcast %scan3A_333 : i32 to vector<16xi32>
        %get3A = arith.constant 1 : i32
        %get3A_334 = arith.index_cast %get3A : i32 to index
        %get3A_335 = arith.index_cast %scan3A_333 : i32 to index
        %get3A_336 = arith.constant 0 : index
        %get3A_337 = tpu.vector_load %arg8[%get3A_334, %get3A_335, %get3A_336] {strides = array<i32>} : memref<2x128x64xf32, #tpu.memory_space<vmem>>, vector<16xf32>,
        %get3A_338 = arith.constant 1 : i32
        %get3A_339 = arith.index_cast %get3A_338 : i32 to index
        %get3A_340 = arith.index_cast %scan3A_333 : i32 to index
        %get3A_341 = arith.constant 0 : index
        %get3A_342 = tpu.vector_load %arg9[%get3A_339, %get3A_340, %get3A_341] {strides = array<i32>} : memref<2x128x64xf32, #tpu.memory_space<vmem>>, vector<16xf32>,
        %scatter3A = arith.constant 1 : i32
        %scatter3A_343 = arith.constant 0 : i32
        %scatter3A_344 = arith.constant 0 : i32
        %scatter3A_345 = arith.constant 0 : i32
        %scatter3A_346 = tpu.memref_slice %arg10[%scatter3A, %scatter3A_343, %scatter3A_344, %scatter3A_345] : memref<2x8x8x137xf32, #tpu.memory_space<vmem>> -> memref<1x8x8x137xf32, #tpu.memory_space<vmem>>
        %scatter3A_347 = tpu.memref_squeeze %scatter3A_346 : memref<1x8x8x137xf32, #tpu.memory_space<vmem>> -> memref<8x8x137xf32, #tpu.memory_space<vmem>>
        tpu.vector_store_idx %scatter3A_347[%shift_right_arithmetic3A_7, %and3A_30, %broadcast_in_dim3A], %get3A_337 : memref<8x8x137xf32, #tpu.memory_space<vmem>>[vector<16xi32>, vector<16xi32>, vector<16xi32>], vector<16xf32>,
        %scatter3A_348 = arith.constant 1 : i32
        %scatter3A_349 = arith.constant 0 : i32
        %scatter3A_350 = arith.constant 0 : i32
        %scatter3A_351 = arith.constant 0 : i32
        %scatter3A_352 = tpu.memref_slice %arg11[%scatter3A_348, %scatter3A_349, %scatter3A_350, %scatter3A_351] : memref<2x8x8x137xf32, #tpu.memory_space<vmem>> -> memref<1x8x8x137xf32, #tpu.memory_space<vmem>>
        %scatter3A_353 = tpu.memref_squeeze %scatter3A_352 : memref<1x8x8x137xf32, #tpu.memory_space<vmem>> -> memref<8x8x137xf32, #tpu.memory_space<vmem>>
        tpu.vector_store_idx %scatter3A_353[%shift_right_arithmetic3A_7, %and3A_30, %broadcast_in_dim3A], %get3A_342 : memref<8x8x137xf32, #tpu.memory_space<vmem>>[vector<16xi32>, vector<16xi32>, vector<16xi32>], vector<16xf32>,
        %get3A_354 = arith.constant 1 : i32
        %get3A_355 = arith.index_cast %get3A_354 : i32 to index
        %get3A_356 = arith.index_cast %scan3A_333 : i32 to index
        %get3A_357 = arith.constant 16 : index
        %get3A_358 = tpu.vector_load %arg8[%get3A_355, %get3A_356, %get3A_357] {strides = array<i32>} : memref<2x128x64xf32, #tpu.memory_space<vmem>>, vector<16xf32>,
        %get3A_359 = arith.constant 1 : i32
        %get3A_360 = arith.index_cast %get3A_359 : i32 to index
        %get3A_361 = arith.index_cast %scan3A_333 : i32 to index
        %get3A_362 = arith.constant 16 : index
        %get3A_363 = tpu.vector_load %arg9[%get3A_360, %get3A_361, %get3A_362] {strides = array<i32>} : memref<2x128x64xf32, #tpu.memory_space<vmem>>, vector<16xf32>,
        %scatter3A_364 = arith.constant 1 : i32
        %scatter3A_365 = arith.constant 0 : i32
        %scatter3A_366 = arith.constant 0 : i32
        %scatter3A_367 = arith.constant 0 : i32
        %scatter3A_368 = tpu.memref_slice %arg10[%scatter3A_364, %scatter3A_365, %scatter3A_366, %scatter3A_367] : memref<2x8x8x137xf32, #tpu.memory_space<vmem>> -> memref<1x8x8x137xf32, #tpu.memory_space<vmem>>
        %scatter3A_369 = tpu.memref_squeeze %scatter3A_368 : memref<1x8x8x137xf32, #tpu.memory_space<vmem>> -> memref<8x8x137xf32, #tpu.memory_space<vmem>>
        tpu.vector_store_idx %scatter3A_369[%shift_right_arithmetic3A_13, %and3A_36, %broadcast_in_dim3A], %get3A_358 : memref<8x8x137xf32, #tpu.memory_space<vmem>>[vector<16xi32>, vector<16xi32>, vector<16xi32>], vector<16xf32>,
        %scatter3A_370 = arith.constant 1 : i32
        %scatter3A_371 = arith.constant 0 : i32
        %scatter3A_372 = arith.constant 0 : i32
        %scatter3A_373 = arith.constant 0 : i32
        %scatter3A_374 = tpu.memref_slice %arg11[%scatter3A_370, %scatter3A_371, %scatter3A_372, %scatter3A_373] : memref<2x8x8x137xf32, #tpu.memory_space<vmem>> -> memref<1x8x8x137xf32, #tpu.memory_space<vmem>>
        %scatter3A_375 = tpu.memref_squeeze %scatter3A_374 : memref<1x8x8x137xf32, #tpu.memory_space<vmem>> -> memref<8x8x137xf32, #tpu.memory_space<vmem>>
        tpu.vector_store_idx %scatter3A_375[%shift_right_arithmetic3A_13, %and3A_36, %broadcast_in_dim3A], %get3A_363 : memref<8x8x137xf32, #tpu.memory_space<vmem>>[vector<16xi32>, vector<16xi32>, vector<16xi32>], vector<16xf32>,
        %get3A_376 = arith.constant 1 : i32
        %get3A_377 = arith.index_cast %get3A_376 : i32 to index
        %get3A_378 = arith.index_cast %scan3A_333 : i32 to index
        %get3A_379 = arith.constant 32 : index
        %get3A_380 = tpu.vector_load %arg8[%get3A_377, %get3A_378, %get3A_379] {strides = array<i32>} : memref<2x128x64xf32, #tpu.memory_space<vmem>>, vector<16xf32>,
        %get3A_381 = arith.constant 1 : i32
        %get3A_382 = arith.index_cast %get3A_381 : i32 to index
        %get3A_383 = arith.index_cast %scan3A_333 : i32 to index
        %get3A_384 = arith.constant 32 : index
        %get3A_385 = tpu.vector_load %arg9[%get3A_382, %get3A_383, %get3A_384] {strides = array<i32>} : memref<2x128x64xf32, #tpu.memory_space<vmem>>, vector<16xf32>,
        %scatter3A_386 = arith.constant 1 : i32
        %scatter3A_387 = arith.constant 0 : i32
        %scatter3A_388 = arith.constant 0 : i32
        %scatter3A_389 = arith.constant 0 : i32
        %scatter3A_390 = tpu.memref_slice %arg10[%scatter3A_386, %scatter3A_387, %scatter3A_388, %scatter3A_389] : memref<2x8x8x137xf32, #tpu.memory_space<vmem>> -> memref<1x8x8x137xf32, #tpu.memory_space<vmem>>
        %scatter3A_391 = tpu.memref_squeeze %scatter3A_390 : memref<1x8x8x137xf32, #tpu.memory_space<vmem>> -> memref<8x8x137xf32, #tpu.memory_space<vmem>>
        tpu.vector_store_idx %scatter3A_391[%shift_right_arithmetic3A_19, %and3A_42, %broadcast_in_dim3A], %get3A_380 : memref<8x8x137xf32, #tpu.memory_space<vmem>>[vector<16xi32>, vector<16xi32>, vector<16xi32>], vector<16xf32>,
        %scatter3A_392 = arith.constant 1 : i32
        %scatter3A_393 = arith.constant 0 : i32
        %scatter3A_394 = arith.constant 0 : i32
        %scatter3A_395 = arith.constant 0 : i32
        %scatter3A_396 = tpu.memref_slice %arg11[%scatter3A_392, %scatter3A_393, %scatter3A_394, %scatter3A_395] : memref<2x8x8x137xf32, #tpu.memory_space<vmem>> -> memref<1x8x8x137xf32, #tpu.memory_space<vmem>>
        %scatter3A_397 = tpu.memref_squeeze %scatter3A_396 : memref<1x8x8x137xf32, #tpu.memory_space<vmem>> -> memref<8x8x137xf32, #tpu.memory_space<vmem>>
        tpu.vector_store_idx %scatter3A_397[%shift_right_arithmetic3A_19, %and3A_42, %broadcast_in_dim3A], %get3A_385 : memref<8x8x137xf32, #tpu.memory_space<vmem>>[vector<16xi32>, vector<16xi32>, vector<16xi32>], vector<16xf32>,
        %get3A_398 = arith.constant 1 : i32
        %get3A_399 = arith.index_cast %get3A_398 : i32 to index
        %get3A_400 = arith.index_cast %scan3A_333 : i32 to index
        %get3A_401 = arith.constant 48 : index
        %get3A_402 = tpu.vector_load %arg8[%get3A_399, %get3A_400, %get3A_401] {strides = array<i32>} : memref<2x128x64xf32, #tpu.memory_space<vmem>>, vector<16xf32>,
        %get3A_403 = arith.constant 1 : i32
        %get3A_404 = arith.index_cast %get3A_403 : i32 to index
        %get3A_405 = arith.index_cast %scan3A_333 : i32 to index
        %get3A_406 = arith.constant 48 : index
        %get3A_407 = tpu.vector_load %arg9[%get3A_404, %get3A_405, %get3A_406] {strides = array<i32>} : memref<2x128x64xf32, #tpu.memory_space<vmem>>, vector<16xf32>,
        %scatter3A_408 = arith.constant 1 : i32
        %scatter3A_409 = arith.constant 0 : i32
        %scatter3A_410 = arith.constant 0 : i32
        %scatter3A_411 = arith.constant 0 : i32
        %scatter3A_412 = tpu.memref_slice %arg10[%scatter3A_408, %scatter3A_409, %scatter3A_410, %scatter3A_411] : memref<2x8x8x137xf32, #tpu.memory_space<vmem>> -> memref<1x8x8x137xf32, #tpu.memory_space<vmem>>
        %scatter3A_413 = tpu.memref_squeeze %scatter3A_412 : memref<1x8x8x137xf32, #tpu.memory_space<vmem>> -> memref<8x8x137xf32, #tpu.memory_space<vmem>>
        tpu.vector_store_idx %scatter3A_413[%shift_right_arithmetic3A_25, %and3A_48, %broadcast_in_dim3A], %get3A_402 : memref<8x8x137xf32, #tpu.memory_space<vmem>>[vector<16xi32>, vector<16xi32>, vector<16xi32>], vector<16xf32>,
        %scatter3A_414 = arith.constant 1 : i32
        %scatter3A_415 = arith.constant 0 : i32
        %scatter3A_416 = arith.constant 0 : i32
        %scatter3A_417 = arith.constant 0 : i32
        %scatter3A_418 = tpu.memref_slice %arg11[%scatter3A_414, %scatter3A_415, %scatter3A_416, %scatter3A_417] : memref<2x8x8x137xf32, #tpu.memory_space<vmem>> -> memref<1x8x8x137xf32, #tpu.memory_space<vmem>>
        %scatter3A_419 = tpu.memref_squeeze %scatter3A_418 : memref<1x8x8x137xf32, #tpu.memory_space<vmem>> -> memref<8x8x137xf32, #tpu.memory_space<vmem>>
        tpu.vector_store_idx %scatter3A_419[%shift_right_arithmetic3A_25, %and3A_48, %broadcast_in_dim3A], %get3A_407 : memref<8x8x137xf32, #tpu.memory_space<vmem>>[vector<16xi32>, vector<16xi32>, vector<16xi32>], vector<16xf32>,
        %scan3A_420 = arith.constant 1 : i32
        %scan3A_421 = arith.addi %scan3A_333, %scan3A_420 : i32
        %broadcast_in_dim3A_422 = vector.broadcast %scan3A_421 : i32 to vector<16xi32>
        %get3A_423 = arith.constant 1 : i32
        %get3A_424 = arith.index_cast %get3A_423 : i32 to index
        %get3A_425 = arith.index_cast %scan3A_421 : i32 to index
        %get3A_426 = arith.constant 0 : index
        %get3A_427 = tpu.vector_load %arg8[%get3A_424, %get3A_425, %get3A_426] {strides = array<i32>} : memref<2x128x64xf32, #tpu.memory_space<vmem>>, vector<16xf32>,
        %get3A_428 = arith.constant 1 : i32
        %get3A_429 = arith.index_cast %get3A_428 : i32 to index
        %get3A_430 = arith.index_cast %scan3A_421 : i32 to index
        %get3A_431 = arith.constant 0 : index
        %get3A_432 = tpu.vector_load %arg9[%get3A_429, %get3A_430, %get3A_431] {strides = array<i32>} : memref<2x128x64xf32, #tpu.memory_space<vmem>>, vector<16xf32>,
        %scatter3A_433 = arith.constant 1 : i32
        %scatter3A_434 = arith.constant 0 : i32
        %scatter3A_435 = arith.constant 0 : i32
        %scatter3A_436 = arith.constant 0 : i32
        %scatter3A_437 = tpu.memref_slice %arg10[%scatter3A_433, %scatter3A_434, %scatter3A_435, %scatter3A_436] : memref<2x8x8x137xf32, #tpu.memory_space<vmem>> -> memref<1x8x8x137xf32, #tpu.memory_space<vmem>>
        %scatter3A_438 = tpu.memref_squeeze %scatter3A_437 : memref<1x8x8x137xf32, #tpu.memory_space<vmem>> -> memref<8x8x137xf32, #tpu.memory_space<vmem>>
        tpu.vector_store_idx %scatter3A_438[%shift_right_arithmetic3A_7, %and3A_30, %broadcast_in_dim3A_422], %get3A_427 : memref<8x8x137xf32, #tpu.memory_space<vmem>>[vector<16xi32>, vector<16xi32>, vector<16xi32>], vector<16xf32>,
        %scatter3A_439 = arith.constant 1 : i32
        %scatter3A_440 = arith.constant 0 : i32
        %scatter3A_441 = arith.constant 0 : i32
        %scatter3A_442 = arith.constant 0 : i32
        %scatter3A_443 = tpu.memref_slice %arg11[%scatter3A_439, %scatter3A_440, %scatter3A_441, %scatter3A_442] : memref<2x8x8x137xf32, #tpu.memory_space<vmem>> -> memref<1x8x8x137xf32, #tpu.memory_space<vmem>>
        %scatter3A_444 = tpu.memref_squeeze %scatter3A_443 : memref<1x8x8x137xf32, #tpu.memory_space<vmem>> -> memref<8x8x137xf32, #tpu.memory_space<vmem>>
        tpu.vector_store_idx %scatter3A_444[%shift_right_arithmetic3A_7, %and3A_30, %broadcast_in_dim3A_422], %get3A_432 : memref<8x8x137xf32, #tpu.memory_space<vmem>>[vector<16xi32>, vector<16xi32>, vector<16xi32>], vector<16xf32>,
        %get3A_445 = arith.constant 1 : i32
        %get3A_446 = arith.index_cast %get3A_445 : i32 to index
        %get3A_447 = arith.index_cast %scan3A_421 : i32 to index
        %get3A_448 = arith.constant 16 : index
        %get3A_449 = tpu.vector_load %arg8[%get3A_446, %get3A_447, %get3A_448] {strides = array<i32>} : memref<2x128x64xf32, #tpu.memory_space<vmem>>, vector<16xf32>,
        %get3A_450 = arith.constant 1 : i32
        %get3A_451 = arith.index_cast %get3A_450 : i32 to index
        %get3A_452 = arith.index_cast %scan3A_421 : i32 to index
        %get3A_453 = arith.constant 16 : index
        %get3A_454 = tpu.vector_load %arg9[%get3A_451, %get3A_452, %get3A_453] {strides = array<i32>} : memref<2x128x64xf32, #tpu.memory_space<vmem>>, vector<16xf32>,
        %scatter3A_455 = arith.constant 1 : i32
        %scatter3A_456 = arith.constant 0 : i32
        %scatter3A_457 = arith.constant 0 : i32
        %scatter3A_458 = arith.constant 0 : i32
        %scatter3A_459 = tpu.memref_slice %arg10[%scatter3A_455, %scatter3A_456, %scatter3A_457, %scatter3A_458] : memref<2x8x8x137xf32, #tpu.memory_space<vmem>> -> memref<1x8x8x137xf32, #tpu.memory_space<vmem>>
        %scatter3A_460 = tpu.memref_squeeze %scatter3A_459 : memref<1x8x8x137xf32, #tpu.memory_space<vmem>> -> memref<8x8x137xf32, #tpu.memory_space<vmem>>
        tpu.vector_store_idx %scatter3A_460[%shift_right_arithmetic3A_13, %and3A_36, %broadcast_in_dim3A_422], %get3A_449 : memref<8x8x137xf32, #tpu.memory_space<vmem>>[vector<16xi32>, vector<16xi32>, vector<16xi32>], vector<16xf32>,
        %scatter3A_461 = arith.constant 1 : i32
        %scatter3A_462 = arith.constant 0 : i32
        %scatter3A_463 = arith.constant 0 : i32
        %scatter3A_464 = arith.constant 0 : i32
        %scatter3A_465 = tpu.memref_slice %arg11[%scatter3A_461, %scatter3A_462, %scatter3A_463, %scatter3A_464] : memref<2x8x8x137xf32, #tpu.memory_space<vmem>> -> memref<1x8x8x137xf32, #tpu.memory_space<vmem>>
        %scatter3A_466 = tpu.memref_squeeze %scatter3A_465 : memref<1x8x8x137xf32, #tpu.memory_space<vmem>> -> memref<8x8x137xf32, #tpu.memory_space<vmem>>
        tpu.vector_store_idx %scatter3A_466[%shift_right_arithmetic3A_13, %and3A_36, %broadcast_in_dim3A_422], %get3A_454 : memref<8x8x137xf32, #tpu.memory_space<vmem>>[vector<16xi32>, vector<16xi32>, vector<16xi32>], vector<16xf32>,
        %get3A_467 = arith.constant 1 : i32
        %get3A_468 = arith.index_cast %get3A_467 : i32 to index
        %get3A_469 = arith.index_cast %scan3A_421 : i32 to index
        %get3A_470 = arith.constant 32 : index
        %get3A_471 = tpu.vector_load %arg8[%get3A_468, %get3A_469, %get3A_470] {strides = array<i32>} : memref<2x128x64xf32, #tpu.memory_space<vmem>>, vector<16xf32>,
        %get3A_472 = arith.constant 1 : i32
        %get3A_473 = arith.index_cast %get3A_472 : i32 to index
        %get3A_474 = arith.index_cast %scan3A_421 : i32 to index
        %get3A_475 = arith.constant 32 : index
        %get3A_476 = tpu.vector_load %arg9[%get3A_473, %get3A_474, %get3A_475] {strides = array<i32>} : memref<2x128x64xf32, #tpu.memory_space<vmem>>, vector<16xf32>,
        %scatter3A_477 = arith.constant 1 : i32
        %scatter3A_478 = arith.constant 0 : i32
        %scatter3A_479 = arith.constant 0 : i32
        %scatter3A_480 = arith.constant 0 : i32
        %scatter3A_481 = tpu.memref_slice %arg10[%scatter3A_477, %scatter3A_478, %scatter3A_479, %scatter3A_480] : memref<2x8x8x137xf32, #tpu.memory_space<vmem>> -> memref<1x8x8x137xf32, #tpu.memory_space<vmem>>
        %scatter3A_482 = tpu.memref_squeeze %scatter3A_481 : memref<1x8x8x137xf32, #tpu.memory_space<vmem>> -> memref<8x8x137xf32, #tpu.memory_space<vmem>>
        tpu.vector_store_idx %scatter3A_482[%shift_right_arithmetic3A_19, %and3A_42, %broadcast_in_dim3A_422], %get3A_471 : memref<8x8x137xf32, #tpu.memory_space<vmem>>[vector<16xi32>, vector<16xi32>, vector<16xi32>], vector<16xf32>,
        %scatter3A_483 = arith.constant 1 : i32
        %scatter3A_484 = arith.constant 0 : i32
        %scatter3A_485 = arith.constant 0 : i32
        %scatter3A_486 = arith.constant 0 : i32
        %scatter3A_487 = tpu.memref_slice %arg11[%scatter3A_483, %scatter3A_484, %scatter3A_485, %scatter3A_486] : memref<2x8x8x137xf32, #tpu.memory_space<vmem>> -> memref<1x8x8x137xf32, #tpu.memory_space<vmem>>
        %scatter3A_488 = tpu.memref_squeeze %scatter3A_487 : memref<1x8x8x137xf32, #tpu.memory_space<vmem>> -> memref<8x8x137xf32, #tpu.memory_space<vmem>>
        tpu.vector_store_idx %scatter3A_488[%shift_right_arithmetic3A_19, %and3A_42, %broadcast_in_dim3A_422], %get3A_476 : memref<8x8x137xf32, #tpu.memory_space<vmem>>[vector<16xi32>, vector<16xi32>, vector<16xi32>], vector<16xf32>,
        %get3A_489 = arith.constant 1 : i32
        %get3A_490 = arith.index_cast %get3A_489 : i32 to index
        %get3A_491 = arith.index_cast %scan3A_421 : i32 to index
        %get3A_492 = arith.constant 48 : index
        %get3A_493 = tpu.vector_load %arg8[%get3A_490, %get3A_491, %get3A_492] {strides = array<i32>} : memref<2x128x64xf32, #tpu.memory_space<vmem>>, vector<16xf32>,
        %get3A_494 = arith.constant 1 : i32
        %get3A_495 = arith.index_cast %get3A_494 : i32 to index
        %get3A_496 = arith.index_cast %scan3A_421 : i32 to index
        %get3A_497 = arith.constant 48 : index
        %get3A_498 = tpu.vector_load %arg9[%get3A_495, %get3A_496, %get3A_497] {strides = array<i32>} : memref<2x128x64xf32, #tpu.memory_space<vmem>>, vector<16xf32>,
        %scatter3A_499 = arith.constant 1 : i32
        %scatter3A_500 = arith.constant 0 : i32
        %scatter3A_501 = arith.constant 0 : i32
        %scatter3A_502 = arith.constant 0 : i32
        %scatter3A_503 = tpu.memref_slice %arg10[%scatter3A_499, %scatter3A_500, %scatter3A_501, %scatter3A_502] : memref<2x8x8x137xf32, #tpu.memory_space<vmem>> -> memref<1x8x8x137xf32, #tpu.memory_space<vmem>>
        %scatter3A_504 = tpu.memref_squeeze %scatter3A_503 : memref<1x8x8x137xf32, #tpu.memory_space<vmem>> -> memref<8x8x137xf32, #tpu.memory_space<vmem>>
        tpu.vector_store_idx %scatter3A_504[%shift_right_arithmetic3A_25, %and3A_48, %broadcast_in_dim3A_422], %get3A_493 : memref<8x8x137xf32, #tpu.memory_space<vmem>>[vector<16xi32>, vector<16xi32>, vector<16xi32>], vector<16xf32>,
        %scatter3A_505 = arith.constant 1 : i32
        %scatter3A_506 = arith.constant 0 : i32
        %scatter3A_507 = arith.constant 0 : i32
        %scatter3A_508 = arith.constant 0 : i32
        %scatter3A_509 = tpu.memref_slice %arg11[%scatter3A_505, %scatter3A_506, %scatter3A_507, %scatter3A_508] : memref<2x8x8x137xf32, #tpu.memory_space<vmem>> -> memref<1x8x8x137xf32, #tpu.memory_space<vmem>>
        %scatter3A_510 = tpu.memref_squeeze %scatter3A_509 : memref<1x8x8x137xf32, #tpu.memory_space<vmem>> -> memref<8x8x137xf32, #tpu.memory_space<vmem>>
        tpu.vector_store_idx %scatter3A_510[%shift_right_arithmetic3A_25, %and3A_48, %broadcast_in_dim3A_422], %get3A_498 : memref<8x8x137xf32, #tpu.memory_space<vmem>>[vector<16xi32>, vector<16xi32>, vector<16xi32>], vector<16xf32>,
        %scan3A_511 = arith.constant 2 : i32
        %scan3A_512 = arith.addi %scan3A_333, %scan3A_511 : i32
        %broadcast_in_dim3A_513 = vector.broadcast %scan3A_512 : i32 to vector<16xi32>
        %get3A_514 = arith.constant 1 : i32
        %get3A_515 = arith.index_cast %get3A_514 : i32 to index
        %get3A_516 = arith.index_cast %scan3A_512 : i32 to index
        %get3A_517 = arith.constant 0 : index
        %get3A_518 = tpu.vector_load %arg8[%get3A_515, %get3A_516, %get3A_517] {strides = array<i32>} : memref<2x128x64xf32, #tpu.memory_space<vmem>>, vector<16xf32>,
        %get3A_519 = arith.constant 1 : i32
        %get3A_520 = arith.index_cast %get3A_519 : i32 to index
        %get3A_521 = arith.index_cast %scan3A_512 : i32 to index
        %get3A_522 = arith.constant 0 : index
        %get3A_523 = tpu.vector_load %arg9[%get3A_520, %get3A_521, %get3A_522] {strides = array<i32>} : memref<2x128x64xf32, #tpu.memory_space<vmem>>, vector<16xf32>,
        %scatter3A_524 = arith.constant 1 : i32
        %scatter3A_525 = arith.constant 0 : i32
        %scatter3A_526 = arith.constant 0 : i32
        %scatter3A_527 = arith.constant 0 : i32
        %scatter3A_528 = tpu.memref_slice %arg10[%scatter3A_524, %scatter3A_525, %scatter3A_526, %scatter3A_527] : memref<2x8x8x137xf32, #tpu.memory_space<vmem>> -> memref<1x8x8x137xf32, #tpu.memory_space<vmem>>
        %scatter3A_529 = tpu.memref_squeeze %scatter3A_528 : memref<1x8x8x137xf32, #tpu.memory_space<vmem>> -> memref<8x8x137xf32, #tpu.memory_space<vmem>>
        tpu.vector_store_idx %scatter3A_529[%shift_right_arithmetic3A_7, %and3A_30, %broadcast_in_dim3A_513], %get3A_518 : memref<8x8x137xf32, #tpu.memory_space<vmem>>[vector<16xi32>, vector<16xi32>, vector<16xi32>], vector<16xf32>,
        %scatter3A_530 = arith.constant 1 : i32
        %scatter3A_531 = arith.constant 0 : i32
        %scatter3A_532 = arith.constant 0 : i32
        %scatter3A_533 = arith.constant 0 : i32
        %scatter3A_534 = tpu.memref_slice %arg11[%scatter3A_530, %scatter3A_531, %scatter3A_532, %scatter3A_533] : memref<2x8x8x137xf32, #tpu.memory_space<vmem>> -> memref<1x8x8x137xf32, #tpu.memory_space<vmem>>
        %scatter3A_535 = tpu.memref_squeeze %scatter3A_534 : memref<1x8x8x137xf32, #tpu.memory_space<vmem>> -> memref<8x8x137xf32, #tpu.memory_space<vmem>>
        tpu.vector_store_idx %scatter3A_535[%shift_right_arithmetic3A_7, %and3A_30, %broadcast_in_dim3A_513], %get3A_523 : memref<8x8x137xf32, #tpu.memory_space<vmem>>[vector<16xi32>, vector<16xi32>, vector<16xi32>], vector<16xf32>,
        %get3A_536 = arith.constant 1 : i32
        %get3A_537 = arith.index_cast %get3A_536 : i32 to index
        %get3A_538 = arith.index_cast %scan3A_512 : i32 to index
        %get3A_539 = arith.constant 16 : index
        %get3A_540 = tpu.vector_load %arg8[%get3A_537, %get3A_538, %get3A_539] {strides = array<i32>} : memref<2x128x64xf32, #tpu.memory_space<vmem>>, vector<16xf32>,
        %get3A_541 = arith.constant 1 : i32
        %get3A_542 = arith.index_cast %get3A_541 : i32 to index
        %get3A_543 = arith.index_cast %scan3A_512 : i32 to index
        %get3A_544 = arith.constant 16 : index
        %get3A_545 = tpu.vector_load %arg9[%get3A_542, %get3A_543, %get3A_544] {strides = array<i32>} : memref<2x128x64xf32, #tpu.memory_space<vmem>>, vector<16xf32>,
        %scatter3A_546 = arith.constant 1 : i32
        %scatter3A_547 = arith.constant 0 : i32
        %scatter3A_548 = arith.constant 0 : i32
        %scatter3A_549 = arith.constant 0 : i32
        %scatter3A_550 = tpu.memref_slice %arg10[%scatter3A_546, %scatter3A_547, %scatter3A_548, %scatter3A_549] : memref<2x8x8x137xf32, #tpu.memory_space<vmem>> -> memref<1x8x8x137xf32, #tpu.memory_space<vmem>>
        %scatter3A_551 = tpu.memref_squeeze %scatter3A_550 : memref<1x8x8x137xf32, #tpu.memory_space<vmem>> -> memref<8x8x137xf32, #tpu.memory_space<vmem>>
        tpu.vector_store_idx %scatter3A_551[%shift_right_arithmetic3A_13, %and3A_36, %broadcast_in_dim3A_513], %get3A_540 : memref<8x8x137xf32, #tpu.memory_space<vmem>>[vector<16xi32>, vector<16xi32>, vector<16xi32>], vector<16xf32>,
        %scatter3A_552 = arith.constant 1 : i32
        %scatter3A_553 = arith.constant 0 : i32
        %scatter3A_554 = arith.constant 0 : i32
        %scatter3A_555 = arith.constant 0 : i32
        %scatter3A_556 = tpu.memref_slice %arg11[%scatter3A_552, %scatter3A_553, %scatter3A_554, %scatter3A_555] : memref<2x8x8x137xf32, #tpu.memory_space<vmem>> -> memref<1x8x8x137xf32, #tpu.memory_space<vmem>>
        %scatter3A_557 = tpu.memref_squeeze %scatter3A_556 : memref<1x8x8x137xf32, #tpu.memory_space<vmem>> -> memref<8x8x137xf32, #tpu.memory_space<vmem>>
        tpu.vector_store_idx %scatter3A_557[%shift_right_arithmetic3A_13, %and3A_36, %broadcast_in_dim3A_513], %get3A_545 : memref<8x8x137xf32, #tpu.memory_space<vmem>>[vector<16xi32>, vector<16xi32>, vector<16xi32>], vector<16xf32>,
        %get3A_558 = arith.constant 1 : i32
        %get3A_559 = arith.index_cast %get3A_558 : i32 to index
        %get3A_560 = arith.index_cast %scan3A_512 : i32 to index
        %get3A_561 = arith.constant 32 : index
        %get3A_562 = tpu.vector_load %arg8[%get3A_559, %get3A_560, %get3A_561] {strides = array<i32>} : memref<2x128x64xf32, #tpu.memory_space<vmem>>, vector<16xf32>,
        %get3A_563 = arith.constant 1 : i32
        %get3A_564 = arith.index_cast %get3A_563 : i32 to index
        %get3A_565 = arith.index_cast %scan3A_512 : i32 to index
        %get3A_566 = arith.constant 32 : index
        %get3A_567 = tpu.vector_load %arg9[%get3A_564, %get3A_565, %get3A_566] {strides = array<i32>} : memref<2x128x64xf32, #tpu.memory_space<vmem>>, vector<16xf32>,
        %scatter3A_568 = arith.constant 1 : i32
        %scatter3A_569 = arith.constant 0 : i32
        %scatter3A_570 = arith.constant 0 : i32
        %scatter3A_571 = arith.constant 0 : i32
        %scatter3A_572 = tpu.memref_slice %arg10[%scatter3A_568, %scatter3A_569, %scatter3A_570, %scatter3A_571] : memref<2x8x8x137xf32, #tpu.memory_space<vmem>> -> memref<1x8x8x137xf32, #tpu.memory_space<vmem>>
        %scatter3A_573 = tpu.memref_squeeze %scatter3A_572 : memref<1x8x8x137xf32, #tpu.memory_space<vmem>> -> memref<8x8x137xf32, #tpu.memory_space<vmem>>
        tpu.vector_store_idx %scatter3A_573[%shift_right_arithmetic3A_19, %and3A_42, %broadcast_in_dim3A_513], %get3A_562 : memref<8x8x137xf32, #tpu.memory_space<vmem>>[vector<16xi32>, vector<16xi32>, vector<16xi32>], vector<16xf32>,
        %scatter3A_574 = arith.constant 1 : i32
        %scatter3A_575 = arith.constant 0 : i32
        %scatter3A_576 = arith.constant 0 : i32
        %scatter3A_577 = arith.constant 0 : i32
        %scatter3A_578 = tpu.memref_slice %arg11[%scatter3A_574, %scatter3A_575, %scatter3A_576, %scatter3A_577] : memref<2x8x8x137xf32, #tpu.memory_space<vmem>> -> memref<1x8x8x137xf32, #tpu.memory_space<vmem>>
        %scatter3A_579 = tpu.memref_squeeze %scatter3A_578 : memref<1x8x8x137xf32, #tpu.memory_space<vmem>> -> memref<8x8x137xf32, #tpu.memory_space<vmem>>
        tpu.vector_store_idx %scatter3A_579[%shift_right_arithmetic3A_19, %and3A_42, %broadcast_in_dim3A_513], %get3A_567 : memref<8x8x137xf32, #tpu.memory_space<vmem>>[vector<16xi32>, vector<16xi32>, vector<16xi32>], vector<16xf32>,
        %get3A_580 = arith.constant 1 : i32
        %get3A_581 = arith.index_cast %get3A_580 : i32 to index
        %get3A_582 = arith.index_cast %scan3A_512 : i32 to index
        %get3A_583 = arith.constant 48 : index
        %get3A_584 = tpu.vector_load %arg8[%get3A_581, %get3A_582, %get3A_583] {strides = array<i32>} : memref<2x128x64xf32, #tpu.memory_space<vmem>>, vector<16xf32>,
        %get3A_585 = arith.constant 1 : i32
        %get3A_586 = arith.index_cast %get3A_585 : i32 to index
        %get3A_587 = arith.index_cast %scan3A_512 : i32 to index
        %get3A_588 = arith.constant 48 : index
        %get3A_589 = tpu.vector_load %arg9[%get3A_586, %get3A_587, %get3A_588] {strides = array<i32>} : memref<2x128x64xf32, #tpu.memory_space<vmem>>, vector<16xf32>,
        %scatter3A_590 = arith.constant 1 : i32
        %scatter3A_591 = arith.constant 0 : i32
        %scatter3A_592 = arith.constant 0 : i32
        %scatter3A_593 = arith.constant 0 : i32
        %scatter3A_594 = tpu.memref_slice %arg10[%scatter3A_590, %scatter3A_591, %scatter3A_592, %scatter3A_593] : memref<2x8x8x137xf32, #tpu.memory_space<vmem>> -> memref<1x8x8x137xf32, #tpu.memory_space<vmem>>
        %scatter3A_595 = tpu.memref_squeeze %scatter3A_594 : memref<1x8x8x137xf32, #tpu.memory_space<vmem>> -> memref<8x8x137xf32, #tpu.memory_space<vmem>>
        tpu.vector_store_idx %scatter3A_595[%shift_right_arithmetic3A_25, %and3A_48, %broadcast_in_dim3A_513], %get3A_584 : memref<8x8x137xf32, #tpu.memory_space<vmem>>[vector<16xi32>, vector<16xi32>, vector<16xi32>], vector<16xf32>,
        %scatter3A_596 = arith.constant 1 : i32
        %scatter3A_597 = arith.constant 0 : i32
        %scatter3A_598 = arith.constant 0 : i32
        %scatter3A_599 = arith.constant 0 : i32
        %scatter3A_600 = tpu.memref_slice %arg11[%scatter3A_596, %scatter3A_597, %scatter3A_598, %scatter3A_599] : memref<2x8x8x137xf32, #tpu.memory_space<vmem>> -> memref<1x8x8x137xf32, #tpu.memory_space<vmem>>
        %scatter3A_601 = tpu.memref_squeeze %scatter3A_600 : memref<1x8x8x137xf32, #tpu.memory_space<vmem>> -> memref<8x8x137xf32, #tpu.memory_space<vmem>>
        tpu.vector_store_idx %scatter3A_601[%shift_right_arithmetic3A_25, %and3A_48, %broadcast_in_dim3A_513], %get3A_589 : memref<8x8x137xf32, #tpu.memory_space<vmem>>[vector<16xi32>, vector<16xi32>, vector<16xi32>], vector<16xf32>,
        %scan3A_602 = arith.constant 3 : i32
        %scan3A_603 = arith.addi %scan3A_333, %scan3A_602 : i32
        %broadcast_in_dim3A_604 = vector.broadcast %scan3A_603 : i32 to vector<16xi32>
        %get3A_605 = arith.constant 1 : i32
        %get3A_606 = arith.index_cast %get3A_605 : i32 to index
        %get3A_607 = arith.index_cast %scan3A_603 : i32 to index
        %get3A_608 = arith.constant 0 : index
        %get3A_609 = tpu.vector_load %arg8[%get3A_606, %get3A_607, %get3A_608] {strides = array<i32>} : memref<2x128x64xf32, #tpu.memory_space<vmem>>, vector<16xf32>,
        %get3A_610 = arith.constant 1 : i32
        %get3A_611 = arith.index_cast %get3A_610 : i32 to index
        %get3A_612 = arith.index_cast %scan3A_603 : i32 to index
        %get3A_613 = arith.constant 0 : index
        %get3A_614 = tpu.vector_load %arg9[%get3A_611, %get3A_612, %get3A_613] {strides = array<i32>} : memref<2x128x64xf32, #tpu.memory_space<vmem>>, vector<16xf32>,
        %scatter3A_615 = arith.constant 1 : i32
        %scatter3A_616 = arith.constant 0 : i32
        %scatter3A_617 = arith.constant 0 : i32
        %scatter3A_618 = arith.constant 0 : i32
        %scatter3A_619 = tpu.memref_slice %arg10[%scatter3A_615, %scatter3A_616, %scatter3A_617, %scatter3A_618] : memref<2x8x8x137xf32, #tpu.memory_space<vmem>> -> memref<1x8x8x137xf32, #tpu.memory_space<vmem>>
        %scatter3A_620 = tpu.memref_squeeze %scatter3A_619 : memref<1x8x8x137xf32, #tpu.memory_space<vmem>> -> memref<8x8x137xf32, #tpu.memory_space<vmem>>
        tpu.vector_store_idx %scatter3A_620[%shift_right_arithmetic3A_7, %and3A_30, %broadcast_in_dim3A_604], %get3A_609 : memref<8x8x137xf32, #tpu.memory_space<vmem>>[vector<16xi32>, vector<16xi32>, vector<16xi32>], vector<16xf32>,
        %scatter3A_621 = arith.constant 1 : i32
        %scatter3A_622 = arith.constant 0 : i32
        %scatter3A_623 = arith.constant 0 : i32
        %scatter3A_624 = arith.constant 0 : i32
        %scatter3A_625 = tpu.memref_slice %arg11[%scatter3A_621, %scatter3A_622, %scatter3A_623, %scatter3A_624] : memref<2x8x8x137xf32, #tpu.memory_space<vmem>> -> memref<1x8x8x137xf32, #tpu.memory_space<vmem>>
        %scatter3A_626 = tpu.memref_squeeze %scatter3A_625 : memref<1x8x8x137xf32, #tpu.memory_space<vmem>> -> memref<8x8x137xf32, #tpu.memory_space<vmem>>
        tpu.vector_store_idx %scatter3A_626[%shift_right_arithmetic3A_7, %and3A_30, %broadcast_in_dim3A_604], %get3A_614 : memref<8x8x137xf32, #tpu.memory_space<vmem>>[vector<16xi32>, vector<16xi32>, vector<16xi32>], vector<16xf32>,
        %get3A_627 = arith.constant 1 : i32
        %get3A_628 = arith.index_cast %get3A_627 : i32 to index
        %get3A_629 = arith.index_cast %scan3A_603 : i32 to index
        %get3A_630 = arith.constant 16 : index
        %get3A_631 = tpu.vector_load %arg8[%get3A_628, %get3A_629, %get3A_630] {strides = array<i32>} : memref<2x128x64xf32, #tpu.memory_space<vmem>>, vector<16xf32>,
        %get3A_632 = arith.constant 1 : i32
        %get3A_633 = arith.index_cast %get3A_632 : i32 to index
        %get3A_634 = arith.index_cast %scan3A_603 : i32 to index
        %get3A_635 = arith.constant 16 : index
        %get3A_636 = tpu.vector_load %arg9[%get3A_633, %get3A_634, %get3A_635] {strides = array<i32>} : memref<2x128x64xf32, #tpu.memory_space<vmem>>, vector<16xf32>,
        %scatter3A_637 = arith.constant 1 : i32
        %scatter3A_638 = arith.constant 0 : i32
        %scatter3A_639 = arith.constant 0 : i32
        %scatter3A_640 = arith.constant 0 : i32
        %scatter3A_641 = tpu.memref_slice %arg10[%scatter3A_637, %scatter3A_638, %scatter3A_639, %scatter3A_640] : memref<2x8x8x137xf32, #tpu.memory_space<vmem>> -> memref<1x8x8x137xf32, #tpu.memory_space<vmem>>
        %scatter3A_642 = tpu.memref_squeeze %scatter3A_641 : memref<1x8x8x137xf32, #tpu.memory_space<vmem>> -> memref<8x8x137xf32, #tpu.memory_space<vmem>>
        tpu.vector_store_idx %scatter3A_642[%shift_right_arithmetic3A_13, %and3A_36, %broadcast_in_dim3A_604], %get3A_631 : memref<8x8x137xf32, #tpu.memory_space<vmem>>[vector<16xi32>, vector<16xi32>, vector<16xi32>], vector<16xf32>,
        %scatter3A_643 = arith.constant 1 : i32
        %scatter3A_644 = arith.constant 0 : i32
        %scatter3A_645 = arith.constant 0 : i32
        %scatter3A_646 = arith.constant 0 : i32
        %scatter3A_647 = tpu.memref_slice %arg11[%scatter3A_643, %scatter3A_644, %scatter3A_645, %scatter3A_646] : memref<2x8x8x137xf32, #tpu.memory_space<vmem>> -> memref<1x8x8x137xf32, #tpu.memory_space<vmem>>
        %scatter3A_648 = tpu.memref_squeeze %scatter3A_647 : memref<1x8x8x137xf32, #tpu.memory_space<vmem>> -> memref<8x8x137xf32, #tpu.memory_space<vmem>>
        tpu.vector_store_idx %scatter3A_648[%shift_right_arithmetic3A_13, %and3A_36, %broadcast_in_dim3A_604], %get3A_636 : memref<8x8x137xf32, #tpu.memory_space<vmem>>[vector<16xi32>, vector<16xi32>, vector<16xi32>], vector<16xf32>,
        %get3A_649 = arith.constant 1 : i32
        %get3A_650 = arith.index_cast %get3A_649 : i32 to index
        %get3A_651 = arith.index_cast %scan3A_603 : i32 to index
        %get3A_652 = arith.constant 32 : index
        %get3A_653 = tpu.vector_load %arg8[%get3A_650, %get3A_651, %get3A_652] {strides = array<i32>} : memref<2x128x64xf32, #tpu.memory_space<vmem>>, vector<16xf32>,
        %get3A_654 = arith.constant 1 : i32
        %get3A_655 = arith.index_cast %get3A_654 : i32 to index
        %get3A_656 = arith.index_cast %scan3A_603 : i32 to index
        %get3A_657 = arith.constant 32 : index
        %get3A_658 = tpu.vector_load %arg9[%get3A_655, %get3A_656, %get3A_657] {strides = array<i32>} : memref<2x128x64xf32, #tpu.memory_space<vmem>>, vector<16xf32>,
        %scatter3A_659 = arith.constant 1 : i32
        %scatter3A_660 = arith.constant 0 : i32
        %scatter3A_661 = arith.constant 0 : i32
        %scatter3A_662 = arith.constant 0 : i32
        %scatter3A_663 = tpu.memref_slice %arg10[%scatter3A_659, %scatter3A_660, %scatter3A_661, %scatter3A_662] : memref<2x8x8x137xf32, #tpu.memory_space<vmem>> -> memref<1x8x8x137xf32, #tpu.memory_space<vmem>>
        %scatter3A_664 = tpu.memref_squeeze %scatter3A_663 : memref<1x8x8x137xf32, #tpu.memory_space<vmem>> -> memref<8x8x137xf32, #tpu.memory_space<vmem>>
        tpu.vector_store_idx %scatter3A_664[%shift_right_arithmetic3A_19, %and3A_42, %broadcast_in_dim3A_604], %get3A_653 : memref<8x8x137xf32, #tpu.memory_space<vmem>>[vector<16xi32>, vector<16xi32>, vector<16xi32>], vector<16xf32>,
        %scatter3A_665 = arith.constant 1 : i32
        %scatter3A_666 = arith.constant 0 : i32
        %scatter3A_667 = arith.constant 0 : i32
        %scatter3A_668 = arith.constant 0 : i32
        %scatter3A_669 = tpu.memref_slice %arg11[%scatter3A_665, %scatter3A_666, %scatter3A_667, %scatter3A_668] : memref<2x8x8x137xf32, #tpu.memory_space<vmem>> -> memref<1x8x8x137xf32, #tpu.memory_space<vmem>>
        %scatter3A_670 = tpu.memref_squeeze %scatter3A_669 : memref<1x8x8x137xf32, #tpu.memory_space<vmem>> -> memref<8x8x137xf32, #tpu.memory_space<vmem>>
        tpu.vector_store_idx %scatter3A_670[%shift_right_arithmetic3A_19, %and3A_42, %broadcast_in_dim3A_604], %get3A_658 : memref<8x8x137xf32, #tpu.memory_space<vmem>>[vector<16xi32>, vector<16xi32>, vector<16xi32>], vector<16xf32>,
        %get3A_671 = arith.constant 1 : i32
        %get3A_672 = arith.index_cast %get3A_671 : i32 to index
        %get3A_673 = arith.index_cast %scan3A_603 : i32 to index
        %get3A_674 = arith.constant 48 : index
        %get3A_675 = tpu.vector_load %arg8[%get3A_672, %get3A_673, %get3A_674] {strides = array<i32>} : memref<2x128x64xf32, #tpu.memory_space<vmem>>, vector<16xf32>,
        %get3A_676 = arith.constant 1 : i32
        %get3A_677 = arith.index_cast %get3A_676 : i32 to index
        %get3A_678 = arith.index_cast %scan3A_603 : i32 to index
        %get3A_679 = arith.constant 48 : index
        %get3A_680 = tpu.vector_load %arg9[%get3A_677, %get3A_678, %get3A_679] {strides = array<i32>} : memref<2x128x64xf32, #tpu.memory_space<vmem>>, vector<16xf32>,
        %scatter3A_681 = arith.constant 1 : i32
        %scatter3A_682 = arith.constant 0 : i32
        %scatter3A_683 = arith.constant 0 : i32
        %scatter3A_684 = arith.constant 0 : i32
        %scatter3A_685 = tpu.memref_slice %arg10[%scatter3A_681, %scatter3A_682, %scatter3A_683, %scatter3A_684] : memref<2x8x8x137xf32, #tpu.memory_space<vmem>> -> memref<1x8x8x137xf32, #tpu.memory_space<vmem>>
        %scatter3A_686 = tpu.memref_squeeze %scatter3A_685 : memref<1x8x8x137xf32, #tpu.memory_space<vmem>> -> memref<8x8x137xf32, #tpu.memory_space<vmem>>
        tpu.vector_store_idx %scatter3A_686[%shift_right_arithmetic3A_25, %and3A_48, %broadcast_in_dim3A_604], %get3A_675 : memref<8x8x137xf32, #tpu.memory_space<vmem>>[vector<16xi32>, vector<16xi32>, vector<16xi32>], vector<16xf32>,
        %scatter3A_687 = arith.constant 1 : i32
        %scatter3A_688 = arith.constant 0 : i32
        %scatter3A_689 = arith.constant 0 : i32
        %scatter3A_690 = arith.constant 0 : i32
        %scatter3A_691 = tpu.memref_slice %arg11[%scatter3A_687, %scatter3A_688, %scatter3A_689, %scatter3A_690] : memref<2x8x8x137xf32, #tpu.memory_space<vmem>> -> memref<1x8x8x137xf32, #tpu.memory_space<vmem>>
        %scatter3A_692 = tpu.memref_squeeze %scatter3A_691 : memref<1x8x8x137xf32, #tpu.memory_space<vmem>> -> memref<8x8x137xf32, #tpu.memory_space<vmem>>
        tpu.vector_store_idx %scatter3A_692[%shift_right_arithmetic3A_25, %and3A_48, %broadcast_in_dim3A_604], %get3A_680 : memref<8x8x137xf32, #tpu.memory_space<vmem>>[vector<16xi32>, vector<16xi32>, vector<16xi32>], vector<16xf32>,
      }
      %scan3A_290 = arith.constant 128 : i32
      %dma_start3A_291 = arith.constant 1 : i32
      %dma_start3A_292 = arith.constant 0 : i32
      %dma_start3A_293 = arith.constant 0 : i32
      %dma_start3A_294 = arith.constant 0 : i32
      %dma_start3A_295 = tpu.memref_slice %arg10[%dma_start3A_291, %dma_start3A_292, %dma_start3A_293, %dma_start3A_294] : memref<2x8x8x137xf32, #tpu.memory_space<vmem>> -> memref<1x8x8x128xf32, #tpu.memory_space<vmem>>
      %dma_start3A_296 = tpu.memref_squeeze %dma_start3A_295 : memref<1x8x8x128xf32, #tpu.memory_space<vmem>> -> memref<8x8x128xf32, #tpu.memory_space<vmem>>
      %dma_start3A_297 = arith.constant 0 : i32
      %dma_start3A_298 = arith.constant 0 : i32
      %dma_start3A_299 = arith.constant 0 : i32
      %dma_start3A_300 = tpu.memref_slice %arg5[%add3A_250, %dma_start3A_297, %add3A, %dma_start3A_298, %dma_start3A_299] : memref<50x8x32x8x128xf32, #tpu.memory_space<hbm>> -> memref<1x8x1x8x128xf32, #tpu.memory_space<hbm>>
      %dma_start3A_301 = tpu.memref_squeeze %dma_start3A_300 : memref<1x8x1x8x128xf32, #tpu.memory_space<hbm>> -> memref<8x8x128xf32, #tpu.memory_space<hbm>>
      %dma_start3A_302 = arith.constant 0 : i32
      %dma_start3A_303 = arith.constant 0 : i32
      %dma_start3A_304 = arith.constant 0 : i32
      %dma_start3A_305 = tpu.memref_slice %arg5[%add3A_250, %dma_start3A_302, %add3A, %dma_start3A_303, %dma_start3A_304] : memref<50x8x32x8x128xf32, #tpu.memory_space<hbm>> -> memref<1x8x1x8x128xf32, #tpu.memory_space<hbm>>
      %dma_start3A_306 = tpu.memref_squeeze %dma_start3A_305 : memref<1x8x1x8x128xf32, #tpu.memory_space<hbm>> -> memref<8x8x128xf32, #tpu.memory_space<hbm>>
      %dma_start3A_307 = arith.constant 0 : i32
      %dma_start3A_308 = arith.constant 0 : i32
      %dma_start3A_309 = arith.constant 0 : i32
      %dma_start3A_310 = tpu.memref_slice %arg10[%dma_start3A_291, %dma_start3A_307, %dma_start3A_308, %dma_start3A_309] : memref<2x8x8x137xf32, #tpu.memory_space<vmem>> -> memref<1x8x8x128xf32, #tpu.memory_space<vmem>>
      %dma_start3A_311 = tpu.memref_squeeze %dma_start3A_310 : memref<1x8x8x128xf32, #tpu.memory_space<vmem>> -> memref<8x8x128xf32, #tpu.memory_space<vmem>>
      tpu.enqueue_dma source(%dma_start3A_311 : memref<8x8x128xf32, #tpu.memory_space<vmem>>) target(%dma_start3A_306 : memref<8x8x128xf32, #tpu.memory_space<hbm>>) target_semaphore(%arg15 : memref<!tpu.dma_semaphore, #tpu.memory_space<semaphore_mem>>)
      %dma_start3A_312 = arith.constant 1 : i32
      %dma_start3A_313 = arith.constant 0 : i32
      %dma_start3A_314 = arith.constant 0 : i32
      %dma_start3A_315 = arith.constant 0 : i32
      %dma_start3A_316 = tpu.memref_slice %arg11[%dma_start3A_312, %dma_start3A_313, %dma_start3A_314, %dma_start3A_315] : memref<2x8x8x137xf32, #tpu.memory_space<vmem>> -> memref<1x8x8x128xf32, #tpu.memory_space<vmem>>
      %dma_start3A_317 = tpu.memref_squeeze %dma_start3A_316 : memref<1x8x8x128xf32, #tpu.memory_space<vmem>> -> memref<8x8x128xf32, #tpu.memory_space<vmem>>
      %dma_start3A_318 = arith.constant 0 : i32
      %dma_start3A_319 = arith.constant 0 : i32
      %dma_start3A_320 = arith.constant 0 : i32
      %dma_start3A_321 = tpu.memref_slice %arg6[%add3A_250, %dma_start3A_318, %add3A, %dma_start3A_319, %dma_start3A_320] : memref<50x8x32x8x128xf32, #tpu.memory_space<hbm>> -> memref<1x8x1x8x128xf32, #tpu.memory_space<hbm>>
      %dma_start3A_322 = tpu.memref_squeeze %dma_start3A_321 : memref<1x8x1x8x128xf32, #tpu.memory_space<hbm>> -> memref<8x8x128xf32, #tpu.memory_space<hbm>>
      %dma_start3A_323 = arith.constant 0 : i32
      %dma_start3A_324 = arith.constant 0 : i32
      %dma_start3A_325 = arith.constant 0 : i32
      %dma_start3A_326 = tpu.memref_slice %arg6[%add3A_250, %dma_start3A_323, %add3A, %dma_start3A_324, %dma_start3A_325] : memref<50x8x32x8x128xf32, #tpu.memory_space<hbm>> -> memref<1x8x1x8x128xf32, #tpu.memory_space<hbm>>
      %dma_start3A_327 = tpu.memref_squeeze %dma_start3A_326 : memref<1x8x1x8x128xf32, #tpu.memory_space<hbm>> -> memref<8x8x128xf32, #tpu.memory_space<hbm>>
      %dma_start3A_328 = arith.constant 0 : i32
      %dma_start3A_329 = arith.constant 0 : i32
      %dma_start3A_330 = arith.constant 0 : i32
      %dma_start3A_331 = tpu.memref_slice %arg11[%dma_start3A_312, %dma_start3A_328, %dma_start3A_329, %dma_start3A_330] : memref<2x8x8x137xf32, #tpu.memory_space<vmem>> -> memref<1x8x8x128xf32, #tpu.memory_space<vmem>>
      %dma_start3A_332 = tpu.memref_squeeze %dma_start3A_331 : memref<1x8x8x128xf32, #tpu.memory_space<vmem>> -> memref<8x8x128xf32, #tpu.memory_space<vmem>>
      tpu.enqueue_dma source(%dma_start3A_332 : memref<8x8x128xf32, #tpu.memory_space<vmem>>) target(%dma_start3A_327 : memref<8x8x128xf32, #tpu.memory_space<hbm>>) target_semaphore(%arg15 : memref<!tpu.dma_semaphore, #tpu.memory_space<semaphore_mem>>)
    }
    %scan3A_76 = arith.constant 25 : i32
    %dma_wait3A = arith.constant 0 : i32
    %dma_wait3A_77 = arith.constant 48 : i32
    %dma_wait3A_78 = arith.constant 0 : i32
    %dma_wait3A_79 = arith.constant 0 : i32
    %dma_wait3A_80 = arith.constant 0 : i32
    %dma_wait3A_81 = tpu.memref_slice %arg10[%dma_wait3A, %dma_wait3A_78, %dma_wait3A_79, %dma_wait3A_80] : memref<2x8x8x137xf32, #tpu.memory_space<vmem>> -> memref<1x8x8x128xf32, #tpu.memory_space<vmem>>
    %dma_wait3A_82 = tpu.memref_squeeze %dma_wait3A_81 : memref<1x8x8x128xf32, #tpu.memory_space<vmem>> -> memref<8x8x128xf32, #tpu.memory_space<vmem>>
    %dma_wait3A_83 = arith.constant 0 : i32
    %dma_wait3A_84 = arith.constant 0 : i32
    %dma_wait3A_85 = arith.constant 0 : i32
    %dma_wait3A_86 = tpu.memref_slice %arg5[%dma_wait3A_77, %dma_wait3A_83, %add3A, %dma_wait3A_84, %dma_wait3A_85] : memref<50x8x32x8x128xf32, #tpu.memory_space<hbm>> -> memref<1x8x1x8x128xf32, #tpu.memory_space<hbm>>
    %dma_wait3A_87 = tpu.memref_squeeze %dma_wait3A_86 : memref<1x8x1x8x128xf32, #tpu.memory_space<hbm>> -> memref<8x8x128xf32, #tpu.memory_space<hbm>>
    %dma_wait3A_88 = arith.constant 0 : i32
    %dma_wait3A_89 = arith.constant 0 : i32
    %dma_wait3A_90 = arith.constant 0 : i32
    %dma_wait3A_91 = tpu.memref_slice %arg5[%dma_wait3A_77, %dma_wait3A_88, %add3A, %dma_wait3A_89, %dma_wait3A_90] : memref<50x8x32x8x128xf32, #tpu.memory_space<hbm>> -> memref<1x8x1x8x128xf32, #tpu.memory_space<hbm>>
    %dma_wait3A_92 = tpu.memref_squeeze %dma_wait3A_91 : memref<1x8x1x8x128xf32, #tpu.memory_space<hbm>> -> memref<8x8x128xf32, #tpu.memory_space<hbm>>
    %dma_wait3A_93 = arith.constant 0 : i32
    %dma_wait3A_94 = arith.constant 0 : i32
    %dma_wait3A_95 = arith.constant 0 : i32
    %dma_wait3A_96 = tpu.memref_slice %arg10[%dma_wait3A, %dma_wait3A_93, %dma_wait3A_94, %dma_wait3A_95] : memref<2x8x8x137xf32, #tpu.memory_space<vmem>> -> memref<1x8x8x128xf32, #tpu.memory_space<vmem>>
    %dma_wait3A_97 = tpu.memref_squeeze %dma_wait3A_96 : memref<1x8x8x128xf32, #tpu.memory_space<vmem>> -> memref<8x8x128xf32, #tpu.memory_space<vmem>>
    tpu.wait_dma2 semaphore(%arg14 : memref<!tpu.dma_semaphore, #tpu.memory_space<semaphore_mem>>) src(%dma_wait3A_97 : memref<8x8x128xf32, #tpu.memory_space<vmem>>) dst(%dma_wait3A_92 : memref<8x8x128xf32, #tpu.memory_space<hbm>>)
    %dma_wait3A_98 = arith.constant 0 : i32
    %dma_wait3A_99 = arith.constant 48 : i32
    %dma_wait3A_100 = arith.constant 0 : i32
    %dma_wait3A_101 = arith.constant 0 : i32
    %dma_wait3A_102 = arith.constant 0 : i32
    %dma_wait3A_103 = tpu.memref_slice %arg11[%dma_wait3A_98, %dma_wait3A_100, %dma_wait3A_101, %dma_wait3A_102] : memref<2x8x8x137xf32, #tpu.memory_space<vmem>> -> memref<1x8x8x128xf32, #tpu.memory_space<vmem>>
    %dma_wait3A_104 = tpu.memref_squeeze %dma_wait3A_103 : memref<1x8x8x128xf32, #tpu.memory_space<vmem>> -> memref<8x8x128xf32, #tpu.memory_space<vmem>>
    %dma_wait3A_105 = arith.constant 0 : i32
    %dma_wait3A_106 = arith.constant 0 : i32
    %dma_wait3A_107 = arith.constant 0 : i32
    %dma_wait3A_108 = tpu.memref_slice %arg6[%dma_wait3A_99, %dma_wait3A_105, %add3A, %dma_wait3A_106, %dma_wait3A_107] : memref<50x8x32x8x128xf32, #tpu.memory_space<hbm>> -> memref<1x8x1x8x128xf32, #tpu.memory_space<hbm>>
    %dma_wait3A_109 = tpu.memref_squeeze %dma_wait3A_108 : memref<1x8x1x8x128xf32, #tpu.memory_space<hbm>> -> memref<8x8x128xf32, #tpu.memory_space<hbm>>
    %dma_wait3A_110 = arith.constant 0 : i32
    %dma_wait3A_111 = arith.constant 0 : i32
    %dma_wait3A_112 = arith.constant 0 : i32
    %dma_wait3A_113 = tpu.memref_slice %arg6[%dma_wait3A_99, %dma_wait3A_110, %add3A, %dma_wait3A_111, %dma_wait3A_112] : memref<50x8x32x8x128xf32, #tpu.memory_space<hbm>> -> memref<1x8x1x8x128xf32, #tpu.memory_space<hbm>>
    %dma_wait3A_114 = tpu.memref_squeeze %dma_wait3A_113 : memref<1x8x1x8x128xf32, #tpu.memory_space<hbm>> -> memref<8x8x128xf32, #tpu.memory_space<hbm>>
    %dma_wait3A_115 = arith.constant 0 : i32
    %dma_wait3A_116 = arith.constant 0 : i32
    %dma_wait3A_117 = arith.constant 0 : i32
    %dma_wait3A_118 = tpu.memref_slice %arg11[%dma_wait3A_98, %dma_wait3A_115, %dma_wait3A_116, %dma_wait3A_117] : memref<2x8x8x137xf32, #tpu.memory_space<vmem>> -> memref<1x8x8x128xf32, #tpu.memory_space<vmem>>
    %dma_wait3A_119 = tpu.memref_squeeze %dma_wait3A_118 : memref<1x8x8x128xf32, #tpu.memory_space<vmem>> -> memref<8x8x128xf32, #tpu.memory_space<vmem>>
    tpu.wait_dma2 semaphore(%arg14 : memref<!tpu.dma_semaphore, #tpu.memory_space<semaphore_mem>>) src(%dma_wait3A_119 : memref<8x8x128xf32, #tpu.memory_space<vmem>>) dst(%dma_wait3A_114 : memref<8x8x128xf32, #tpu.memory_space<hbm>>)
    %dma_wait3A_120 = arith.constant 1 : i32
    %dma_wait3A_121 = arith.constant 49 : i32
    %dma_wait3A_122 = arith.constant 0 : i32
    %dma_wait3A_123 = arith.constant 0 : i32
    %dma_wait3A_124 = arith.constant 0 : i32
    %dma_wait3A_125 = tpu.memref_slice %arg10[%dma_wait3A_120, %dma_wait3A_122, %dma_wait3A_123, %dma_wait3A_124] : memref<2x8x8x137xf32, #tpu.memory_space<vmem>> -> memref<1x8x8x128xf32, #tpu.memory_space<vmem>>
    %dma_wait3A_126 = tpu.memref_squeeze %dma_wait3A_125 : memref<1x8x8x128xf32, #tpu.memory_space<vmem>> -> memref<8x8x128xf32, #tpu.memory_space<vmem>>
    %dma_wait3A_127 = arith.constant 0 : i32
    %dma_wait3A_128 = arith.constant 0 : i32
    %dma_wait3A_129 = arith.constant 0 : i32
    %dma_wait3A_130 = tpu.memref_slice %arg5[%dma_wait3A_121, %dma_wait3A_127, %add3A, %dma_wait3A_128, %dma_wait3A_129] : memref<50x8x32x8x128xf32, #tpu.memory_space<hbm>> -> memref<1x8x1x8x128xf32, #tpu.memory_space<hbm>>
    %dma_wait3A_131 = tpu.memref_squeeze %dma_wait3A_130 : memref<1x8x1x8x128xf32, #tpu.memory_space<hbm>> -> memref<8x8x128xf32, #tpu.memory_space<hbm>>
    %dma_wait3A_132 = arith.constant 0 : i32
    %dma_wait3A_133 = arith.constant 0 : i32
    %dma_wait3A_134 = arith.constant 0 : i32
    %dma_wait3A_135 = tpu.memref_slice %arg5[%dma_wait3A_121, %dma_wait3A_132, %add3A, %dma_wait3A_133, %dma_wait3A_134] : memref<50x8x32x8x128xf32, #tpu.memory_space<hbm>> -> memref<1x8x1x8x128xf32, #tpu.memory_space<hbm>>
    %dma_wait3A_136 = tpu.memref_squeeze %dma_wait3A_135 : memref<1x8x1x8x128xf32, #tpu.memory_space<hbm>> -> memref<8x8x128xf32, #tpu.memory_space<hbm>>
    %dma_wait3A_137 = arith.constant 0 : i32
    %dma_wait3A_138 = arith.constant 0 : i32
    %dma_wait3A_139 = arith.constant 0 : i32
    %dma_wait3A_140 = tpu.memref_slice %arg10[%dma_wait3A_120, %dma_wait3A_137, %dma_wait3A_138, %dma_wait3A_139] : memref<2x8x8x137xf32, #tpu.memory_space<vmem>> -> memref<1x8x8x128xf32, #tpu.memory_space<vmem>>
    %dma_wait3A_141 = tpu.memref_squeeze %dma_wait3A_140 : memref<1x8x8x128xf32, #tpu.memory_space<vmem>> -> memref<8x8x128xf32, #tpu.memory_space<vmem>>
    tpu.wait_dma2 semaphore(%arg15 : memref<!tpu.dma_semaphore, #tpu.memory_space<semaphore_mem>>) src(%dma_wait3A_141 : memref<8x8x128xf32, #tpu.memory_space<vmem>>) dst(%dma_wait3A_136 : memref<8x8x128xf32, #tpu.memory_space<hbm>>)
    %dma_wait3A_142 = arith.constant 1 : i32
    %dma_wait3A_143 = arith.constant 49 : i32
    %dma_wait3A_144 = arith.constant 0 : i32
    %dma_wait3A_145 = arith.constant 0 : i32
    %dma_wait3A_146 = arith.constant 0 : i32
    %dma_wait3A_147 = tpu.memref_slice %arg11[%dma_wait3A_142, %dma_wait3A_144, %dma_wait3A_145, %dma_wait3A_146] : memref<2x8x8x137xf32, #tpu.memory_space<vmem>> -> memref<1x8x8x128xf32, #tpu.memory_space<vmem>>
    %dma_wait3A_148 = tpu.memref_squeeze %dma_wait3A_147 : memref<1x8x8x128xf32, #tpu.memory_space<vmem>> -> memref<8x8x128xf32, #tpu.memory_space<vmem>>
    %dma_wait3A_149 = arith.constant 0 : i32
    %dma_wait3A_150 = arith.constant 0 : i32
    %dma_wait3A_151 = arith.constant 0 : i32
    %dma_wait3A_152 = tpu.memref_slice %arg6[%dma_wait3A_143, %dma_wait3A_149, %add3A, %dma_wait3A_150, %dma_wait3A_151] : memref<50x8x32x8x128xf32, #tpu.memory_space<hbm>> -> memref<1x8x1x8x128xf32, #tpu.memory_space<hbm>>
    %dma_wait3A_153 = tpu.memref_squeeze %dma_wait3A_152 : memref<1x8x1x8x128xf32, #tpu.memory_space<hbm>> -> memref<8x8x128xf32, #tpu.memory_space<hbm>>
    %dma_wait3A_154 = arith.constant 0 : i32
    %dma_wait3A_155 = arith.constant 0 : i32
    %dma_wait3A_156 = arith.constant 0 : i32
    %dma_wait3A_157 = tpu.memref_slice %arg6[%dma_wait3A_143, %dma_wait3A_154, %add3A, %dma_wait3A_155, %dma_wait3A_156] : memref<50x8x32x8x128xf32, #tpu.memory_space<hbm>> -> memref<1x8x1x8x128xf32, #tpu.memory_space<hbm>>
    %dma_wait3A_158 = tpu.memref_squeeze %dma_wait3A_157 : memref<1x8x1x8x128xf32, #tpu.memory_space<hbm>> -> memref<8x8x128xf32, #tpu.memory_space<hbm>>
    %dma_wait3A_159 = arith.constant 0 : i32
    %dma_wait3A_160 = arith.constant 0 : i32
    %dma_wait3A_161 = arith.constant 0 : i32
    %dma_wait3A_162 = tpu.memref_slice %arg11[%dma_wait3A_142, %dma_wait3A_159, %dma_wait3A_160, %dma_wait3A_161] : memref<2x8x8x137xf32, #tpu.memory_space<vmem>> -> memref<1x8x8x128xf32, #tpu.memory_space<vmem>>
    %dma_wait3A_163 = tpu.memref_squeeze %dma_wait3A_162 : memref<1x8x8x128xf32, #tpu.memory_space<vmem>> -> memref<8x8x128xf32, #tpu.memory_space<vmem>>
    tpu.wait_dma2 semaphore(%arg15 : memref<!tpu.dma_semaphore, #tpu.memory_space<semaphore_mem>>) src(%dma_wait3A_163 : memref<8x8x128xf32, #tpu.memory_space<vmem>>) dst(%dma_wait3A_158 : memref<8x8x128xf32, #tpu.memory_space<hbm>>)
    return
  }
}

</mosaic_0001>

<sc_bundles>
// kernel: kernel.3.cloned.1.call-start
scs
__scs_entry_jumppad:
0x0: {  	(pc) =	sbr.rel $0x88, $3  }
0x1: {  	(tag) =	ssettag $0x0;
	lr =	simm.s32 $0x1  }
0x2: {  	[smem:$0x3F9E] =	sst lr;
	_ =	strace $0xD0000000  }
0x3: {  	_ = 	snop  }
0x4: {  	_ = 	snop  }
0x5: {  	_ = 	snop  }
0x6: {  	_ = 	snop  }
0x7: {  	_ = 	snop  }
__scs_overlays_trampoline_lowered:
0x8: {  	[smem:$0x3FAD] =	sst s0  }
0x9: {  	[smem:$0x3FAE] =	sst s1  }
0xa: {  	[smem:$0x3FAF] =	sst s2  }
0xb: {  	[smem:$0x3FB0] =	sst s3  }
0xc: {  	[smem:$0x3FB1] =	sst s4  }
0xd: {  	[smem:$0x3FB2] =	sst s5  }
0xe: {  	[smem:$0x3FB3] =	sst s6  }
0xf: {  	[smem:$0x3FB4] =	sst s7  }
0x10: {  	[smem:$0x3FB5] =	sst s8  }
0x11: {  	[smem:$0x3FB6] =	sst s9;
	s0 =	simm.s32 @!p0 $0x0  }
0x12: {  	s1 =	sld [smem:$0x3F9C];
	s0 =	simm.s32 @p0 $0x1  }
0x13: {  	[smem:$0x3FB7] =	sst s0;
	s0 =	simm.s32 @!p1 $0x0  }
0x14: {  	s2 =	sld [smem:$0x3F9B];
	s0 =	simm.s32 @p1 $0x1  }
0x15: {  	[smem:$0x3FB8] =	sst s0;
	s0 =	simm.s32 @!p2 $0x0  }
0x16: {  	s3 =	sld [smem:$0x3FDB];
	s0 =	simm.s32 @p2 $0x1  }
0x17: {  	s4 =	simm.s32 $0x1BF5;
	[smem:$0x3FBA] =	sst s0  }
0x18: {  	s0 =	sld [smem:$0x3F9D];
	_ =	swait.ge [sflag:s4], $0x0  }
0x19: {  	s7 =	sld [smem:$0x3F9E]  }
0x1a: {  	s8 =	sadd.s32 $0xFFFFE003, lr  }
0x1b: {  	s9 =	sadd.s32 $0xFFFFFEF7, lr;
	s5 =	simm.s32 $0xFFFFFFFF;
	p2 =	slt.u32 s8, $0xFFFFF086  }
0x1c: {  	p1 =	slt.u32 s9, $0xF7A;
	s5 =	simm.s32 @!p2 $0x0  }
0x1d: {  	s5 =	simm.s32 @p1 $0x1;
	p0 =	seq.s32 s7, s2  }
0x1e: {  	s7 =	smul.u32 @!p0 $0xF7A, s2;
	p2 =	seq.s32 @!p0 s5, $0x0  }
0x1f: {  	s9 =	smul.u32 $0xF7A, s1;
	s8 =	simm.s32 @!p0 $0x1BF5;
	p2 =	por !p2, p0  }
0x20: {  	[sflag:s8] =	ssyncset.s32 @!p0 $0xFFFFF086;
	s6 =	sadd.s32 @!p0 s3, s7;
	s7 =	simm.s32 @!p0 $0x108  }
0x21: {  	s3 =	sadd.s32 s3, s9;
	s6 =	sadd.s32 @!p0 $0x88, s6;
	s7 =	simm.s32 @p2 $0x1082  }
0x22: {  	[simem:s7], [sflag:s8] =	dma.local @!p0 [hbm:s6], $0xF7A  }
0x23: {  	s9 =	sor.u32 $0xD0000000, s2;
	s6 =	simm.s32 $0x108;
	_ =	swait.ge @!p0 [sflag:s8], $0x0  }
0x24: {  	s3 =	sadd.s32 $0x88, s3;
	s6 =	simm.s32 @!p1 $0x1082;
	[sflag:s4] =	ssyncset.s32 $0xFFFFF086  }
0x25: {  	[simem:s6], [sflag:s4] =	dma.local [hbm:s3], $0xF7A  }
0x26: {  	[smem:$0x3F9E] =	sst s1;
	(tag) =	ssettag s2;
	_ =	strace s9  }
0x27: {  	s1 =	sld [smem:$0x3FAE]  }
0x28: {  	s2 =	sld [smem:$0x3FAF]  }
0x29: {  	s4 =	sld [smem:$0x3FB1]  }
0x2a: {  	p0 =	seq.s32 s5, $0x0;
	s5 =	sld [smem:$0x3FB2]  }
0x2b: {  	s6 =	sld [smem:$0x3FB3]  }
0x2c: {  	s7 =	sld [smem:$0x3FB4]  }
0x2d: {  	s3 =	simm.s32 $0x108;
	s8 =	sld [smem:$0x3FB5]  }
0x2e: {  	s3 =	simm.s32 @!p0 $0x1082;
	s9 =	sld [smem:$0x3FB6]  }
0x2f: {  	lr =	sadd.s32 s0, s3;
	s0 =	sld [smem:$0x3FAD]  }
0x30: {  	s3 =	sld [smem:$0x3FB0]  }
0x31: {  	[smem:$0x3FB9] =	sst s10  }
0x32: {  	s10 =	sld [smem:$0x3FB7];
	_ =	sdelay $0x3  }
0x33: {  	p0 =	seq.s32 s10, $0x1;
	s10 =	sld [smem:$0x3FB9];
	_ =	sdelay $0x3  }
0x34: {  	[smem:$0x3FB9] =	sst s10  }
0x35: {  	s10 =	sld [smem:$0x3FB8];
	_ =	sdelay $0x3  }
0x36: {  	p1 =	seq.s32 s10, $0x1;
	s10 =	sld [smem:$0x3FB9];
	_ =	sdelay $0x3  }
0x37: {  	[smem:$0x3FB9] =	sst s10  }
0x38: {  	s10 =	sld [smem:$0x3FBA]  }
0x39: {  	_ = 	snop;
	(pc) =	sbr.ind lr, $3  }
0x3a: {  	_ = 	snop  }
0x3b: {  	_ = 	snop  }
0x3c: {  	p2 =	seq.s32 s10, $0x1;
	s10 =	sld [smem:$0x3FB9]  }
0x3d: {  	_ =	shalt  }
0x3e: {  	_ =	shalt  }
0x3f: {  	_ =	shalt  }
0x40: {  	_ =	shalt  }
0x41: {  	_ =	shalt  }
0x42: {  	_ =	shalt  }
0x43: {  	_ =	shalt  }
0x44: {  	_ =	shalt  }
0x45: {  	_ =	shalt  }
0x46: {  	_ =	shalt  }
0x47: {  	_ =	shalt  }
0x48: {  	_ =	shalt  }
0x49: {  	_ =	shalt  }
0x4a: {  	_ =	shalt  }
0x4b: {  	_ =	shalt  }
0x4c: {  	_ =	shalt  }
0x4d: {  	_ =	shalt  }
0x4e: {  	_ =	shalt  }
0x4f: {  	_ =	shalt  }
0x50: {  	_ =	shalt  }
0x51: {  	_ =	shalt  }
0x52: {  	_ =	shalt  }
0x53: {  	_ =	shalt  }
0x54: {  	_ =	shalt  }
0x55: {  	_ =	shalt  }
0x56: {  	_ =	shalt  }
0x57: {  	_ =	shalt  }
0x58: {  	_ =	shalt  }
0x59: {  	_ =	shalt  }
0x5a: {  	_ =	shalt  }
0x5b: {  	_ =	shalt  }
0x5c: {  	_ =	shalt  }
0x5d: {  	_ =	shalt  }
0x5e: {  	_ =	shalt  }
0x5f: {  	_ =	shalt  }
0x60: {  	_ =	shalt  }
0x61: {  	_ =	shalt  }
0x62: {  	_ =	shalt  }
0x63: {  	_ =	shalt  }
0x64: {  	_ =	shalt  }
0x65: {  	_ =	shalt  }
0x66: {  	_ =	shalt  }
0x67: {  	_ =	shalt  }
0x68: {  	_ =	shalt  }
0x69: {  	_ =	shalt  }
0x6a: {  	_ =	shalt  }
0x6b: {  	_ =	shalt  }
0x6c: {  	_ =	shalt  }
0x6d: {  	_ =	shalt  }
0x6e: {  	_ =	shalt  }
0x6f: {  	_ =	shalt  }
0x70: {  	_ =	shalt  }
0x71: {  	_ =	shalt  }
0x72: {  	_ =	shalt  }
0x73: {  	_ =	shalt  }
0x74: {  	_ =	shalt  }
0x75: {  	_ =	shalt  }
0x76: {  	_ =	shalt  }
0x77: {  	_ =	shalt  }
0x78: {  	_ =	shalt  }
0x79: {  	_ =	shalt  }
0x7a: {  	_ =	shalt  }
0x7b: {  	_ =	shalt  }
0x7c: {  	_ =	shalt  }
0x7d: {  	_ =	shalt  }
0x7e: {  	_ =	shalt  }
0x7f: {  	_ =	shalt  }
0x80: {  	_ =	shalt  }
0x81: {  	_ =	shalt  }
0x82: {  	_ =	shalt  }
0x83: {  	_ =	shalt  }
0x84: {  	_ =	shalt  }
0x85: {  	_ =	shalt  }
0x86: {  	_ =	shalt  }
0x87: {  	_ =	shalt  }
.Lfunc_end0:
.L_simem_size_0:
called_computation_lowered:
.L_overlay_start_0:
0x88: {  	s2 =	sld [smem:$0x3FD9]  }
0x89: {  	s3 =	sld [smem:$0x3FFE];
	_ =	sdelay $0x1  }
0x8a: {  	s1 =	srdreg.scid  }
0x8b: {  	s0 =	sand.u32 $0x1, s1  }
0x8c: {  	s16 =	sshll.u32 s0, $0xA;
	s2 =	sadd.s32 s3, s2  }
0x8d: {  	s2 =	sadd.s32 s2, s16  }
0x8e: {  	[smem:$0x3FC5] =	sst s2  }
0x8f: {  	_ = 	snop  }
0x90: {  	(tm) =	ssettm $0x1  }
0x91: {  	s17 =	sld [smem:$0x3FFB];
	_ =	sdelay $0x3  }
0x92: {  	_ =	strace s17  }
0x93: {  	s2 =	sld [smem:$0x3FFC];
	_ =	sdelay $0x3  }
0x94: {  	_ =	strace s2  }
0x95: {  	s2 =	sld [smem:$0x3FFD];
	_ =	sdelay $0x3  }
0x96: {  	_ =	strace s2  }
0x97: {  	_ =	strace $0x8FFFFFFF  }
0x98: {  	s18 =	sld [smem:$0x3FDB];
	_ =	sdelay $0x1  }
0x99: {  	s19 =	simm.s32 $_scs_section_size  }
0x9a: {  	s4 =	simm.s32 $_size__tile_overlayer_lowered;
	s5 =	simm.s32 $_tile_overlayer_lowered  }
0x9b: {  	s22 =	simm.s32 $0x1BFF;
	s21 =	sshll.u32 s5, $0x1;
	s2 =	sadd.s32 s19, s18  }
0x9c: {  	s6 =	simm.s32 $0x0;
	s20 =	sshll.u32 s4, $0x1;
	s4 =	sadd.s32 s21, s2  }
0x9d: {  	[timem:s6], [sflag:s22] =	dma.local [hbm:s4], s20  }
0x9e: {  	_ =	swait.ge [sflag:s22], s20  }
0x9f: {  	s3 =	ssub.s32 $0x0, s20;
	[sflag:s22] =	ssyncset.done $0x0  }
0xa0: {  	[sflag:s22] =	ssyncadd.s32 s3;
	_ =	sdelay $0x1  }
0xa1: {  	s23 =	simm.s32 $0x1B8B  }
0xa2: {  	_ =	swait.ge [sflag:s23], $0x1  }
0xa3: {  	[sflag:s23] =	ssyncset.done $0x0  }
0xa4: {  	s25 =	simm.s32 $0x1B8E;
	s24 =	sld [smem:$0x3FFE];
	[sflag:s23] =	ssyncadd.s32 $0xFFFFFFFF  }
0xa5: {  	s26 =	simm.s32 $execute0_lowered;
	[smem:$0x3FD2] =	sst s25  }
0xa6: {  	s4 =	sshll.u32 s26, $0x1;
	_ =	strace $0x80000046;
	[dreg:$0x1] =	wrdreg $0xFFFFFFFF  }
0xa7: {  	s28 =	simm.s32 $_size_execute0_lowered;
	s2 =	sadd.s32 s2, s4;
	[dreg:$0x0] =	wrdreg $0x0  }
0xa8: {  	s4 =	sshll.u32 s28, $0x1;
	[dreg:$0x2] =	wrdreg s2  }
0xa9: {  	[dreg:$0x3] =	wrdreg s4  }
0xaa: {  	[dreg:$0x4] =	wrdreg $0xC0  }
0xab: {  	_ =	task [dreg:s6], $0x5FFFF  }
0xac: {  	[dreg:$0x1] =	wrdreg $0xFFFFFFFF  }
0xad: {  	[dreg:$0x0] =	wrdreg $0x60  }
0xae: {  	[dreg:$0x2] =	wrdreg s24  }
0xaf: {  	[dreg:$0x3] =	wrdreg $0x9  }
0xb0: {  	_ =	task.clear_ibuf [dreg:s6], $0x4FFFF;
	_ =	strace $0x90000046  }
0xb1: {  	s29 =	simm.s32 $0x9;
	_ =	strace $0x80000048  }
0xb2: {  	_ =	swait.ge [sflag:s29], $0x1  }
0xb3: {  	[sflag:s29] =	ssyncadd.s32 $0xFFFFFFFF  }
0xb4: {  	_ =	strace $0x90000048  }
0xb5: {  	_ =	sfence  }
0xb6: {  	s30 =	sld [smem:$0x0];
	_ =	sdelay $0x2  }
0xb7: {  	s31 =	sshll.u32 s1, $0xD;
	s1 =	sshrl.u32 s1, $0x2  }
0xb8: {  	s3 =	sand.u32 $0x4000, s31;
	s1 =	sadd.s32 s1, s30  }
0xb9: {  	s0 =	sor.u32 s3, s0;
	s1 =	sshll.u32 s1, $0x11  }
0xba: {  	s0 =	sor.u32 s1, s0  }
0xbb: {  	s0 =	sadd.s32 $0x8F2B, s0  }
0xbc: {  	[sflag:s0] =	ssyncadd.remote.s32 $0x1  }
0xbd: {  	_ =	sfence.sel $0xFFFF  }
0xbe: {  	[dreg:$0x0] =	wrdreg $0xFFFFFFFF;
	(pc) =	sbr.abs _section_cstart, $3  }
0xbf: {  	[dreg:$0x1] =	wrdreg $0xFFFFFFFF  }
0xc0: {  	_ =	task.clear_ibuf [dreg:s6], $0x2FFFF;
	_ =	strace $0x9FFFFFFF  }
0xc1: {  	(tm) =	ssettm $0x7FFFFFFF  }
tec
execute0_lowered:
.L_overlay_start_1:
0x0: {  	(tag) =	ssettag $0x1  }
0x1: {  	s0 =	rddreg [dreg:$0x0];
	s1 =	srdreg.scid  }
0x2: {  	s3 =	stileid.u32;
	s2 =	simm.s32 $0x0;
	s10 =	simm.s32 $0x80  }
0x3: {  	s12 =	simm.s32 $0x5;
	s14 =	simm.s32 $0x5900;
	s15 =	simm.s32 $0x3900  }
0x4: {  	s16 =	simm.s32 $0x7900;
	s17 =	simm.s32 $0x1;
	s18 =	simm.s32 $0x9900  }
0x5: {  	s19 =	simm.s32 $0xE100;
	s20 =	simm.s32 $0x2;
	s21 =	simm.s32 $0xBD00  }
0x6: {  	s22 =	simm.s32 $0x10500;
	s23 =	simm.s32 $0x3;
	s24 =	simm.s32 $0x4  }
0x7: {  	s25 =	simm.s32 $0x0;
	s1 =	sand.u32 $0x1, s1;
	s3 =	sshll.u32 s3, $0x1  }
0x8: {  	[smem:$0x7FF] =	sst s2;
	s4 =	sadd.s32 $0xCBE00, s0;
	s5 =	sadd.s32 $0x18F400, s0  }
0x9: {  	v0 =	vlaneseq.u32;
	s6 =	sadd.s32 $0x31F400, s0;
	s8 =	sor.u32 s1, s3;
	s1 =	ssub.s32 $0x2, s1  }
0xa: {  	v0 =	vmul.u32 $0x90, v0;
	_ =	strace $0x80000047;
	s3 =	sshll.u32 s8, $0x4;
	s9 =	sshrl.u32 s1, $0x1  }
0xb: {  	s8 =	sshll.u32 s8, $0xA;
	s7 =	sadd.s32 s3, s0;
	s31 =	ssub.s32 s1, s9  }
0xc: {  	v1 =	vadd.s32 $0x900, v0;
	v2 =	vadd.s32 $0x1200, v0;
	v3 =	vadd.s32 $0x1B00, v0;
	s3 =	sadd.s32 $0x8800, s0;
	s7 =	sadd.s32 $0x2400, s7;
	s9 =	smax.u32 s31, $0x1  }
.LBB2_1:
0xd: {  	s0 =	simm.s32 $0x1000  }
0xe: {  	[tilespmem:s2], [sflag:$0x5] =	stream.strided.gather [hbm4b:s7+s10], $0x1900, s0, s10, $0x38;
	[tilespmem:$0x12900] =	vst v63  }
0xf: {  	_ =	swait.ge [sflag:s12], $0x1900  }
0x10: {  	[sflag:s12] =	ssyncset.done $0x0  }
0x11: {  	s31 =	simm.s32 $0x1900;
	[sflag:s12] =	ssyncadd.s32 $0xFFFFE700  }
0x12: {  	[tilespmem:s31], [sflag:$0x1] =	stream.indirect.gather [hbm4b:s3+s10], $0x40, s2, s10, $0xb8;
	[tilespmem:$0x12900] =	vst v63  }
0x13: {  	s26 =	simm.s32 $0x0  }
0x14: {  	[tilespmem:s14], [sflag:$0x1] =	stream.indirect.gather [hbm4b:s4+s10], $0x40, s2, s10, $0xb8;
	[tilespmem:$0x12900] =	vst v63  }
.LBB2_2:
0x15: {  	s28 =	sshllo.u32 s26, $0x1  }
0x16: {  	s0 =	sshll.u32 s28, $0x7  }
0x17: {  	s0 =	sand.u32 $0x3FFFFF80, s0  }
0x18: {  	[tilespmem:s15], [sflag:$0x2] =	stream.indirect.gather [hbm4b:s3+s10], $0x40, s0, s10, $0xb8;
	[tilespmem:$0x12900] =	vst v63  }
0x19: {  	p0 =	seq.s32 s26, $0x0  }
0x1a: {  	[tilespmem:s16], [sflag:$0x2] =	stream.indirect.gather [hbm4b:s4+s10], $0x40, s0, s10, $0xb8;
	[tilespmem:$0x12900] =	vst v63  }
0x1b: {  	s0 =	simm.s32 @!p0 $0x3  }
0x1c: {  	_ =	swait.ge @!p0 [sflag:s0], $0x2000  }
0x1d: {  	[sflag:s0] =	ssyncset.done @!p0 $0x0  }
0x1e: {  	[sflag:s0] =	ssyncadd.s32 @!p0 $0xFFFFE000  }
0x1f: {  	_ =	swait.ge @!p0 [sflag:s0], $0x2000  }
0x20: {  	[sflag:s0] =	ssyncset.done @!p0 $0x0  }
0x21: {  	[sflag:s0] =	ssyncadd.s32 @!p0 $0xFFFFE000  }
0x22: {  	_ =	swait.ge [sflag:s17], $0x2000  }
0x23: {  	[sflag:s17] =	ssyncset.done $0x0  }
0x24: {  	[sflag:s17] =	ssyncadd.s32 $0xFFFFE000  }
0x25: {  	s13 =	simm.s32 $0x0;
	_ =	swait.ge [sflag:s17], $0x2000  }
0x26: {  	v4 =	vmov s13;
	[sflag:s17] =	ssyncset.done $0x0  }
0x27: {  	s29 =	simm.s32 $0x1980;
	v4 =	vand.u32 $0x7C, v4;
	[sflag:s17] =	ssyncadd.s32 $0xFFFFE000  }
0x28: {  	s30 =	simm.s32 $0x5980;
	v6 =	vadd.s32 v0, v4;
	v5 =	vld [tilespmem:s29+$0xFFFFFF80]  }
0x29: {  	v7 =	vld [tilespmem:s30+$0xFFFFFF80];
	_ =	sdelay $0x3  }
0x2a: {  	[tilespmem:v6+s18+$0x0] =	vst.idx.msk $0xffff, v5  }
0x2b: {  	[tilespmem:v6+s19+$0x0] =	vst.idx.msk $0xffff, v7  }
0x2c: {  	v6 =	vadd.s32 v1, v4;
	v5 =	vld [tilespmem:s29+$0xFFFFFF90]  }
0x2d: {  	v7 =	vld [tilespmem:s30+$0xFFFFFF90];
	_ =	sdelay $0x3  }
0x2e: {  	[tilespmem:v6+s18+$0x0] =	vst.idx.msk $0xffff, v5  }
0x2f: {  	[tilespmem:v6+s19+$0x0] =	vst.idx.msk $0xffff, v7  }
0x30: {  	v6 =	vadd.s32 v2, v4;
	v5 =	vld [tilespmem:s29+$0xFFFFFFA0]  }
0x31: {  	v7 =	vld [tilespmem:s30+$0xFFFFFFA0];
	_ =	sdelay $0x3  }
0x32: {  	[tilespmem:v6+s18+$0x0] =	vst.idx.msk $0xffff, v5  }
0x33: {  	[tilespmem:v6+s19+$0x0] =	vst.idx.msk $0xffff, v7  }
0x34: {  	v4 =	vadd.s32 v3, v4;
	v5 =	vld [tilespmem:s29+$0xFFFFFFB0]  }
0x35: {  	v6 =	vld [tilespmem:s30+$0xFFFFFFB0];
	_ =	sdelay $0x2  }
0x36: {  	s1 =	simm.s32 $0x1  }
0x37: {  	[tilespmem:v4+s18+$0x0] =	vst.idx.msk $0xffff, v5;
	v5 =	vmov s1  }
0x38: {  	[tilespmem:v4+s19+$0x0] =	vst.idx.msk $0xffff, v6;
	v4 =	vand.u32 $0x7D, v5  }
0x39: {  	v5 =	vld [tilespmem:s29+$0xFFFFFFC0];
	v6 =	vadd.s32 v0, v4  }
0x3a: {  	v7 =	vld [tilespmem:s30+$0xFFFFFFC0];
	_ =	sdelay $0x3  }
0x3b: {  	[tilespmem:v6+s18+$0x0] =	vst.idx.msk $0xffff, v5  }
0x3c: {  	[tilespmem:v6+s19+$0x0] =	vst.idx.msk $0xffff, v7  }
0x3d: {  	v6 =	vadd.s32 v1, v4;
	v5 =	vld [tilespmem:s29+$0xFFFFFFD0]  }
0x3e: {  	v7 =	vld [tilespmem:s30+$0xFFFFFFD0];
	_ =	sdelay $0x3  }
0x3f: {  	[tilespmem:v6+s18+$0x0] =	vst.idx.msk $0xffff, v5  }
0x40: {  	[tilespmem:v6+s19+$0x0] =	vst.idx.msk $0xffff, v7  }
0x41: {  	v6 =	vadd.s32 v2, v4;
	v5 =	vld [tilespmem:s29+$0xFFFFFFE0]  }
0x42: {  	v7 =	vld [tilespmem:s30+$0xFFFFFFE0];
	_ =	sdelay $0x3  }
0x43: {  	[tilespmem:v6+s18+$0x0] =	vst.idx.msk $0xffff, v5  }
0x44: {  	[tilespmem:v6+s19+$0x0] =	vst.idx.msk $0xffff, v7  }
0x45: {  	v4 =	vadd.s32 v3, v4;
	v5 =	vld [tilespmem:s29+$0xFFFFFFF0]  }
0x46: {  	v6 =	vld [tilespmem:s30+$0xFFFFFFF0];
	_ =	sdelay $0x2  }
0x47: {  	s11 =	simm.s32 $0x2  }
0x48: {  	[tilespmem:v4+s18+$0x0] =	vst.idx.msk $0xffff, v5;
	v5 =	vmov s11  }
0x49: {  	[tilespmem:v4+s19+$0x0] =	vst.idx.msk $0xffff, v6;
	v4 =	vand.u32 $0x7E, v5  }
0x4a: {  	v5 =	vld [tilespmem:s29+$0x0];
	v6 =	vadd.s32 v0, v4  }
0x4b: {  	v7 =	vld [tilespmem:s30+$0x0];
	_ =	sdelay $0x3  }
0x4c: {  	[tilespmem:v6+s18+$0x0] =	vst.idx.msk $0xffff, v5  }
0x4d: {  	[tilespmem:v6+s19+$0x0] =	vst.idx.msk $0xffff, v7  }
0x4e: {  	v6 =	vadd.s32 v1, v4;
	v5 =	vld [tilespmem:s29+$0x10]  }
0x4f: {  	v7 =	vld [tilespmem:s30+$0x10];
	_ =	sdelay $0x3  }
0x50: {  	[tilespmem:v6+s18+$0x0] =	vst.idx.msk $0xffff, v5  }
0x51: {  	[tilespmem:v6+s19+$0x0] =	vst.idx.msk $0xffff, v7  }
0x52: {  	v6 =	vadd.s32 v2, v4;
	v5 =	vld [tilespmem:s29+$0x20]  }
0x53: {  	v7 =	vld [tilespmem:s30+$0x20];
	_ =	sdelay $0x3  }
0x54: {  	[tilespmem:v6+s18+$0x0] =	vst.idx.msk $0xffff, v5  }
0x55: {  	[tilespmem:v6+s19+$0x0] =	vst.idx.msk $0xffff, v7  }
0x56: {  	v4 =	vadd.s32 v3, v4;
	v5 =	vld [tilespmem:s29+$0x30]  }
0x57: {  	v6 =	vld [tilespmem:s30+$0x30];
	_ =	sdelay $0x2  }
0x58: {  	s13 =	simm.s32 $0x3  }
0x59: {  	[tilespmem:v4+s18+$0x0] =	vst.idx.msk $0xffff, v5;
	v5 =	vmov s13  }
0x5a: {  	[tilespmem:v4+s19+$0x0] =	vst.idx.msk $0xffff, v6;
	v4 =	vand.u32 $0x7F, v5  }
0x5b: {  	v5 =	vld [tilespmem:s29+$0x40];
	v6 =	vadd.s32 v0, v4  }
0x5c: {  	v7 =	vld [tilespmem:s30+$0x40];
	_ =	sdelay $0x3  }
0x5d: {  	[tilespmem:v6+s18+$0x0] =	vst.idx.msk $0xffff, v5  }
0x5e: {  	[tilespmem:v6+s19+$0x0] =	vst.idx.msk $0xffff, v7  }
0x5f: {  	v6 =	vadd.s32 v1, v4;
	v5 =	vld [tilespmem:s29+$0x50]  }
0x60: {  	v7 =	vld [tilespmem:s30+$0x50];
	_ =	sdelay $0x3  }
0x61: {  	[tilespmem:v6+s18+$0x0] =	vst.idx.msk $0xffff, v5  }
0x62: {  	[tilespmem:v6+s19+$0x0] =	vst.idx.msk $0xffff, v7  }
0x63: {  	v6 =	vadd.s32 v2, v4;
	v5 =	vld [tilespmem:s29+$0x60]  }
0x64: {  	v7 =	vld [tilespmem:s30+$0x60];
	_ =	sdelay $0x3  }
0x65: {  	[tilespmem:v6+s18+$0x0] =	vst.idx.msk $0xffff, v5  }
0x66: {  	[tilespmem:v6+s19+$0x0] =	vst.idx.msk $0xffff, v7  }
0x67: {  	v4 =	vadd.s32 v3, v4;
	v7 =	vld [tilespmem:s29+$0x70];
	_ =	sdelay $0x1  }
0x68: {  	v5 =	vld [tilespmem:s30+$0x70];
	_ =	sdelay $0x1  }
0x69: {  	s31 =	simm.s32 $0x4  }
0x6a: {  	s0 =	simm.s32 $0x8;
	v6 =	vmov s31;
	[tilespmem:v4+s18+$0x0] =	vst.idx.msk $0xffff, v7  }
.LBB2_3:
0x6b: {  	s30 =	sadd.s32 $0x100, s30  }
0x6c: {  	v6 =	vand.u32 $0x7C, v6;
	[tilespmem:v4+s19+$0x0] =	vst.idx.msk $0xffff, v5;
	s29 =	sadd.s32 $0x100, s29;
	s1 =	smov.u32 s0;
	s11 =	sadd.s32 $0x4, s0  }
0x6d: {  	p0 =	slt.u32 s0, $0x7C;
	v4 =	vld [tilespmem:s29+$0xFFFFFF80];
	v5 =	vadd.s32 v0, v6  }
0x6e: {  	v7 =	vld [tilespmem:s30+$0xFFFFFF80];
	_ =	sdelay $0x3  }
0x6f: {  	[tilespmem:v5+s18+$0x0] =	vst.idx.msk $0xffff, v4  }
0x70: {  	[tilespmem:v5+s19+$0x0] =	vst.idx.msk $0xffff, v7  }
0x71: {  	v5 =	vadd.s32 v1, v6;
	v4 =	vld [tilespmem:s29+$0xFFFFFF90]  }
0x72: {  	v7 =	vld [tilespmem:s30+$0xFFFFFF90];
	_ =	sdelay $0x3  }
0x73: {  	[tilespmem:v5+s18+$0x0] =	vst.idx.msk $0xffff, v4  }
0x74: {  	[tilespmem:v5+s19+$0x0] =	vst.idx.msk $0xffff, v7  }
0x75: {  	v5 =	vadd.s32 v2, v6;
	v4 =	vld [tilespmem:s29+$0xFFFFFFA0]  }
0x76: {  	v7 =	vld [tilespmem:s30+$0xFFFFFFA0];
	_ =	sdelay $0x3  }
0x77: {  	[tilespmem:v5+s18+$0x0] =	vst.idx.msk $0xffff, v4  }
0x78: {  	[tilespmem:v5+s19+$0x0] =	vst.idx.msk $0xffff, v7  }
0x79: {  	v5 =	vadd.s32 v3, v6;
	v4 =	vld [tilespmem:s29+$0xFFFFFFB0]  }
0x7a: {  	v6 =	vld [tilespmem:s30+$0xFFFFFFB0];
	_ =	sdelay $0x2  }
0x7b: {  	s0 =	sadd.s32 $0x1, s31  }
0x7c: {  	[tilespmem:v5+s18+$0x0] =	vst.idx.msk $0xffff, v4;
	v4 =	vmov s0  }
0x7d: {  	[tilespmem:v5+s19+$0x0] =	vst.idx.msk $0xffff, v6;
	v4 =	vand.u32 $0x7D, v4  }
0x7e: {  	v5 =	vld [tilespmem:s29+$0xFFFFFFC0];
	v6 =	vadd.s32 v0, v4  }
0x7f: {  	v7 =	vld [tilespmem:s30+$0xFFFFFFC0];
	_ =	sdelay $0x3  }
0x80: {  	[tilespmem:v6+s18+$0x0] =	vst.idx.msk $0xffff, v5  }
0x81: {  	[tilespmem:v6+s19+$0x0] =	vst.idx.msk $0xffff, v7  }
0x82: {  	v6 =	vadd.s32 v1, v4;
	v5 =	vld [tilespmem:s29+$0xFFFFFFD0]  }
0x83: {  	v7 =	vld [tilespmem:s30+$0xFFFFFFD0];
	_ =	sdelay $0x3  }
0x84: {  	[tilespmem:v6+s18+$0x0] =	vst.idx.msk $0xffff, v5  }
0x85: {  	[tilespmem:v6+s19+$0x0] =	vst.idx.msk $0xffff, v7  }
0x86: {  	v6 =	vadd.s32 v2, v4;
	v5 =	vld [tilespmem:s29+$0xFFFFFFE0]  }
0x87: {  	v7 =	vld [tilespmem:s30+$0xFFFFFFE0];
	_ =	sdelay $0x3  }
0x88: {  	[tilespmem:v6+s18+$0x0] =	vst.idx.msk $0xffff, v5  }
0x89: {  	[tilespmem:v6+s19+$0x0] =	vst.idx.msk $0xffff, v7  }
0x8a: {  	v4 =	vadd.s32 v3, v4;
	v5 =	vld [tilespmem:s29+$0xFFFFFFF0]  }
0x8b: {  	v6 =	vld [tilespmem:s30+$0xFFFFFFF0];
	_ =	sdelay $0x2  }
0x8c: {  	s0 =	sadd.s32 $0x2, s31  }
0x8d: {  	[tilespmem:v4+s18+$0x0] =	vst.idx.msk $0xffff, v5;
	v5 =	vmov s0  }
0x8e: {  	[tilespmem:v4+s19+$0x0] =	vst.idx.msk $0xffff, v6;
	v4 =	vand.u32 $0x7E, v5  }
0x8f: {  	v5 =	vld [tilespmem:s29+$0x0];
	v6 =	vadd.s32 v0, v4  }
0x90: {  	v7 =	vld [tilespmem:s30+$0x0];
	_ =	sdelay $0x3  }
0x91: {  	[tilespmem:v6+s18+$0x0] =	vst.idx.msk $0xffff, v5  }
0x92: {  	[tilespmem:v6+s19+$0x0] =	vst.idx.msk $0xffff, v7  }
0x93: {  	v6 =	vadd.s32 v1, v4;
	v5 =	vld [tilespmem:s29+$0x10]  }
0x94: {  	v7 =	vld [tilespmem:s30+$0x10];
	_ =	sdelay $0x3  }
0x95: {  	[tilespmem:v6+s18+$0x0] =	vst.idx.msk $0xffff, v5  }
0x96: {  	[tilespmem:v6+s19+$0x0] =	vst.idx.msk $0xffff, v7  }
0x97: {  	v6 =	vadd.s32 v2, v4;
	v5 =	vld [tilespmem:s29+$0x20]  }
0x98: {  	v7 =	vld [tilespmem:s30+$0x20];
	_ =	sdelay $0x3  }
0x99: {  	[tilespmem:v6+s18+$0x0] =	vst.idx.msk $0xffff, v5  }
0x9a: {  	[tilespmem:v6+s19+$0x0] =	vst.idx.msk $0xffff, v7  }
0x9b: {  	v4 =	vadd.s32 v3, v4;
	v5 =	vld [tilespmem:s29+$0x30]  }
0x9c: {  	v6 =	vld [tilespmem:s30+$0x30];
	_ =	sdelay $0x2  }
0x9d: {  	s0 =	sadd.s32 $0x3, s31;
	s31 =	smov.u32 s1  }
0x9e: {  	[tilespmem:v4+s18+$0x0] =	vst.idx.msk $0xffff, v5;
	v5 =	vmov s0  }
0x9f: {  	[tilespmem:v4+s19+$0x0] =	vst.idx.msk $0xffff, v6;
	v4 =	vand.u32 $0x7F, v5  }
0xa0: {  	v5 =	vld [tilespmem:s29+$0x40];
	v6 =	vadd.s32 v0, v4  }
0xa1: {  	v7 =	vld [tilespmem:s30+$0x40];
	_ =	sdelay $0x3  }
0xa2: {  	[tilespmem:v6+s18+$0x0] =	vst.idx.msk $0xffff, v5  }
0xa3: {  	[tilespmem:v6+s19+$0x0] =	vst.idx.msk $0xffff, v7  }
0xa4: {  	v6 =	vadd.s32 v1, v4;
	v5 =	vld [tilespmem:s29+$0x50]  }
0xa5: {  	v7 =	vld [tilespmem:s30+$0x50];
	_ =	sdelay $0x3  }
0xa6: {  	[tilespmem:v6+s18+$0x0] =	vst.idx.msk $0xffff, v5  }
0xa7: {  	[tilespmem:v6+s19+$0x0] =	vst.idx.msk $0xffff, v7  }
0xa8: {  	v6 =	vadd.s32 v2, v4;
	v5 =	vld [tilespmem:s29+$0x60]  }
0xa9: {  	v7 =	vld [tilespmem:s30+$0x60];
	_ =	sdelay $0x3  }
0xaa: {  	[tilespmem:v6+s18+$0x0] =	vst.idx.msk $0xffff, v5  }
0xab: {  	[tilespmem:v6+s19+$0x0] =	vst.idx.msk $0xffff, v7  }
0xac: {  	v4 =	vadd.s32 v3, v4;
	v7 =	vld [tilespmem:s29+$0x70]  }
.Ltmp0:
0xad: {  	v5 =	vld [tilespmem:s30+$0x70];
	(pc) =	sbr.rel @p0 .LBB2_3-.Ltmp0, $2  }
0xae: {  	_ =	sdelay $0x2  }
0xaf: {  	s0 =	smov.u32 s11;
	v6 =	vmov s31;
	[tilespmem:v4+s18+$0x0] =	vst.idx.msk $0xffff, v7  }
0xb0: {  	_ =	sdelay $0x3  }
0xb1: {  	v6 =	vand.u32 $0x7C, v6;
	[tilespmem:v4+s19+$0x0] =	vst.idx.msk $0xffff, v5;
	s1 =	sadd.s32 $0x100, s29  }
0xb2: {  	s0 =	sadd.s32 $0x100, s30;
	v4 =	vld [tilespmem:s1+$0xFFFFFF80];
	v5 =	vadd.s32 v0, v6  }
0xb3: {  	v7 =	vld [tilespmem:s0+$0xFFFFFF80];
	_ =	sdelay $0x3  }
0xb4: {  	[tilespmem:v5+s18+$0x0] =	vst.idx.msk $0xffff, v4  }
0xb5: {  	[tilespmem:v5+s19+$0x0] =	vst.idx.msk $0xffff, v7  }
0xb6: {  	v5 =	vadd.s32 v1, v6;
	v4 =	vld [tilespmem:s1+$0xFFFFFF90]  }
0xb7: {  	v7 =	vld [tilespmem:s0+$0xFFFFFF90];
	_ =	sdelay $0x3  }
0xb8: {  	[tilespmem:v5+s18+$0x0] =	vst.idx.msk $0xffff, v4  }
0xb9: {  	[tilespmem:v5+s19+$0x0] =	vst.idx.msk $0xffff, v7  }
0xba: {  	v5 =	vadd.s32 v2, v6;
	v4 =	vld [tilespmem:s1+$0xFFFFFFA0]  }
0xbb: {  	v7 =	vld [tilespmem:s0+$0xFFFFFFA0];
	_ =	sdelay $0x3  }
0xbc: {  	[tilespmem:v5+s18+$0x0] =	vst.idx.msk $0xffff, v4  }
0xbd: {  	[tilespmem:v5+s19+$0x0] =	vst.idx.msk $0xffff, v7  }
0xbe: {  	v5 =	vadd.s32 v3, v6;
	v4 =	vld [tilespmem:s1+$0xFFFFFFB0]  }
0xbf: {  	v54 =	vld [tilespmem:s0+$0xFFFFFFB0];
	_ =	sdelay $0x2  }
0xc0: {  	s11 =	sadd.s32 $0x1, s31  }
0xc1: {  	[tilespmem:v5+s18+$0x0] =	vst.idx.msk $0xffff, v4;
	v4 =	vmov s11  }
0xc2: {  	[tilespmem:v5+s19+$0x0] =	vst.idx.msk $0xffff, v54;
	v4 =	vand.u32 $0x7D, v4  }
0xc3: {  	v5 =	vld [tilespmem:s1+$0xFFFFFFC0];
	v55 =	vadd.s32 v0, v4  }
0xc4: {  	v7 =	vld [tilespmem:s0+$0xFFFFFFC0];
	_ =	sdelay $0x3  }
0xc5: {  	[tilespmem:v55+s18+$0x0] =	vst.idx.msk $0xffff, v5  }
0xc6: {  	[tilespmem:v55+s19+$0x0] =	vst.idx.msk $0xffff, v7  }
0xc7: {  	v56 =	vadd.s32 v1, v4;
	v5 =	vld [tilespmem:s1+$0xFFFFFFD0]  }
0xc8: {  	v7 =	vld [tilespmem:s0+$0xFFFFFFD0];
	_ =	sdelay $0x3  }
0xc9: {  	[tilespmem:v56+s18+$0x0] =	vst.idx.msk $0xffff, v5  }
0xca: {  	[tilespmem:v56+s19+$0x0] =	vst.idx.msk $0xffff, v7  }
0xcb: {  	v57 =	vadd.s32 v2, v4;
	v5 =	vld [tilespmem:s1+$0xFFFFFFE0]  }
0xcc: {  	v7 =	vld [tilespmem:s0+$0xFFFFFFE0];
	_ =	sdelay $0x3  }
0xcd: {  	[tilespmem:v57+s18+$0x0] =	vst.idx.msk $0xffff, v5  }
0xce: {  	[tilespmem:v57+s19+$0x0] =	vst.idx.msk $0xffff, v7  }
0xcf: {  	v4 =	vadd.s32 v3, v4;
	v5 =	vld [tilespmem:s1+$0xFFFFFFF0]  }
0xd0: {  	v6 =	vld [tilespmem:s0+$0xFFFFFFF0];
	_ =	sdelay $0x2  }
0xd1: {  	s13 =	sadd.s32 $0x2, s31  }
0xd2: {  	[tilespmem:v4+s18+$0x0] =	vst.idx.msk $0xffff, v5;
	v5 =	vmov s13  }
0xd3: {  	[tilespmem:v4+s19+$0x0] =	vst.idx.msk $0xffff, v6;
	v4 =	vand.u32 $0x7E, v5  }
0xd4: {  	v5 =	vld [tilespmem:s1+$0x0];
	v58 =	vadd.s32 v0, v4  }
0xd5: {  	v7 =	vld [tilespmem:s0+$0x0];
	_ =	sdelay $0x3  }
0xd6: {  	[tilespmem:v58+s18+$0x0] =	vst.idx.msk $0xffff, v5  }
0xd7: {  	[tilespmem:v58+s19+$0x0] =	vst.idx.msk $0xffff, v7  }
0xd8: {  	v59 =	vadd.s32 v1, v4;
	v5 =	vld [tilespmem:s1+$0x10]  }
0xd9: {  	v7 =	vld [tilespmem:s0+$0x10];
	_ =	sdelay $0x3  }
0xda: {  	[tilespmem:v59+s18+$0x0] =	vst.idx.msk $0xffff, v5  }
0xdb: {  	[tilespmem:v59+s19+$0x0] =	vst.idx.msk $0xffff, v7  }
0xdc: {  	v60 =	vadd.s32 v2, v4;
	v5 =	vld [tilespmem:s1+$0x20]  }
0xdd: {  	v7 =	vld [tilespmem:s0+$0x20];
	_ =	sdelay $0x3  }
0xde: {  	[tilespmem:v60+s18+$0x0] =	vst.idx.msk $0xffff, v5  }
0xdf: {  	[tilespmem:v60+s19+$0x0] =	vst.idx.msk $0xffff, v7  }
0xe0: {  	v4 =	vadd.s32 v3, v4;
	v5 =	vld [tilespmem:s1+$0x30]  }
0xe1: {  	v6 =	vld [tilespmem:s0+$0x30];
	_ =	sdelay $0x2  }
0xe2: {  	s13 =	sadd.s32 $0x3, s31  }
0xe3: {  	[tilespmem:v4+s18+$0x0] =	vst.idx.msk $0xffff, v5;
	v5 =	vmov s13  }
0xe4: {  	[tilespmem:v4+s19+$0x0] =	vst.idx.msk $0xffff, v6;
	v4 =	vand.u32 $0x7F, v5  }
0xe5: {  	v5 =	vld [tilespmem:s1+$0x40];
	v61 =	vadd.s32 v0, v4  }
0xe6: {  	v7 =	vld [tilespmem:s0+$0x40];
	_ =	sdelay $0x3  }
0xe7: {  	[tilespmem:v61+s18+$0x0] =	vst.idx.msk $0xffff, v5  }
0xe8: {  	[tilespmem:v61+s19+$0x0] =	vst.idx.msk $0xffff, v7  }
0xe9: {  	v62 =	vadd.s32 v1, v4;
	v5 =	vld [tilespmem:s1+$0x50]  }
0xea: {  	v7 =	vld [tilespmem:s0+$0x50];
	_ =	sdelay $0x3  }
0xeb: {  	[tilespmem:v62+s18+$0x0] =	vst.idx.msk $0xffff, v5  }
0xec: {  	[tilespmem:v62+s19+$0x0] =	vst.idx.msk $0xffff, v7  }
0xed: {  	v63 =	vadd.s32 v2, v4;
	v5 =	vld [tilespmem:s1+$0x60]  }
0xee: {  	v7 =	vld [tilespmem:s0+$0x60];
	_ =	sdelay $0x3  }
0xef: {  	[tilespmem:v63+s18+$0x0] =	vst.idx.msk $0xffff, v5  }
0xf0: {  	[tilespmem:v63+s19+$0x0] =	vst.idx.msk $0xffff, v7  }
0xf1: {  	v4 =	vadd.s32 v3, v4;
	v5 =	vld [tilespmem:s1+$0x70]  }
0xf2: {  	v6 =	vld [tilespmem:s0+$0x70];
	_ =	sdelay $0x1  }
0xf3: {  	s11 =	sshll.u32 s26, $0x13  }
0xf4: {  	s0 =	sor.u32 s8, s11  }
0xf5: {  	s0 =	sshrl.u32 s0, $0x3;
	[tilespmem:v4+s18+$0x0] =	vst.idx.msk $0xffff, v5  }
0xf6: {  	s13 =	simm.s32 $0x9900;
	s29 =	sadd.s32 s5, s0;
	[tilespmem:v4+s19+$0x0] =	vst.idx.msk $0xffff, v6  }
0xf7: {  	[hbm4b:s29+s2] =	stream.linear.scatter [tilespmem:s13], [sflag:$0x3], $0x80, $0x38;
	[tilespmem:$0x12900] =	vst v63  }
0xf8: {  	s11 =	simm.s32 $0x9990;
	s13 =	sadd.s32 $0x10, s29  }
0xf9: {  	[hbm4b:s13+s2] =	stream.linear.scatter [tilespmem:s11], [sflag:$0x3], $0x80, $0x38;
	[tilespmem:$0x12900] =	vst v63  }
0xfa: {  	s11 =	simm.s32 $0x9A20;
	s13 =	sadd.s32 $0x20, s29  }
0xfb: {  	[hbm4b:s13+s2] =	stream.linear.scatter [tilespmem:s11], [sflag:$0x3], $0x80, $0x38;
	[tilespmem:$0x12900] =	vst v63  }
0xfc: {  	s11 =	simm.s32 $0x9AB0;
	s13 =	sadd.s32 $0x30, s29  }
0xfd: {  	[hbm4b:s13+s2] =	stream.linear.scatter [tilespmem:s11], [sflag:$0x3], $0x80, $0x38;
	[tilespmem:$0x12900] =	vst v63  }
0xfe: {  	s11 =	simm.s32 $0x9B40;
	s13 =	sadd.s32 $0x40, s29  }
0xff: {  	[hbm4b:s13+s2] =	stream.linear.scatter [tilespmem:s11], [sflag:$0x3], $0x80, $0x38;
	[tilespmem:$0x12900] =	vst v63  }
0x100: {  	s30 =	simm.s32 $0x2400;
	s11 =	simm.s32 $0x9BD0;
	s13 =	sadd.s32 $0x50, s29  }
0x101: {  	[hbm4b:s13+s2] =	stream.linear.scatter [tilespmem:s11], [sflag:$0x3], $0x80, $0x38;
	[tilespmem:$0x12900] =	vst v63  }
0x102: {  	s1 =	simm.s32 $0x480;
	s11 =	simm.s32 $0x9C60;
	s13 =	sadd.s32 $0x60, s29  }
0x103: {  	[hbm4b:s13+s2] =	stream.linear.scatter [tilespmem:s11], [sflag:$0x3], $0x80, $0x38;
	[tilespmem:$0x12900] =	vst v63  }
0x104: {  	s31 =	sadd.s32 $0x70, s29;
	s29 =	sadd.s32 $0x1000, s29;
	s11 =	simm.s32 $0x9CF0  }
.LBB2_5:
0x105: {  	[hbm4b:s31+s2] =	stream.linear.scatter [tilespmem:s11], [sflag:$0x3], $0x80, $0x38;
	[tilespmem:$0x12900] =	vst v63  }
0x106: {  	s11 =	smov.u32 s1;
	s1 =	smov.u32 s30  }
0x107: {  	s13 =	sadd.s32 $0x1200, s30;
	s1 =	sshra.s32 s1, $0x2;
	s31 =	sadd.s32 $0x9900, s11  }
0x108: {  	[hbm4b:s29+s2] =	stream.linear.scatter [tilespmem:s31], [sflag:$0x3], $0x80, $0x38;
	[tilespmem:$0x12900] =	vst v63  }
0x109: {  	p0 =	sne.s32 s30, $0x7E00;
	s30 =	sadd.s32 $0x9990, s11;
	s31 =	sadd.s32 $0x10, s29  }
0x10a: {  	[hbm4b:s31+s2] =	stream.linear.scatter [tilespmem:s30], [sflag:$0x3], $0x80, $0x38;
	[tilespmem:$0x12900] =	vst v63  }
0x10b: {  	s30 =	sadd.s32 $0x9A20, s11;
	s31 =	sadd.s32 $0x20, s29  }
0x10c: {  	[hbm4b:s31+s2] =	stream.linear.scatter [tilespmem:s30], [sflag:$0x3], $0x80, $0x38;
	[tilespmem:$0x12900] =	vst v63  }
0x10d: {  	s30 =	sadd.s32 $0x9AB0, s11;
	s31 =	sadd.s32 $0x30, s29  }
0x10e: {  	[hbm4b:s31+s2] =	stream.linear.scatter [tilespmem:s30], [sflag:$0x3], $0x80, $0x38;
	[tilespmem:$0x12900] =	vst v63  }
0x10f: {  	s30 =	sadd.s32 $0x9B40, s11;
	s31 =	sadd.s32 $0x40, s29  }
0x110: {  	[hbm4b:s31+s2] =	stream.linear.scatter [tilespmem:s30], [sflag:$0x3], $0x80, $0x38;
	[tilespmem:$0x12900] =	vst v63  }
.Ltmp1:
0x111: {  	s30 =	sadd.s32 $0x9BD0, s11;
	s31 =	sadd.s32 $0x50, s29;
	(pc) =	sbr.rel @p0 .LBB2_5-.Ltmp1, $4  }
0x112: {  	[hbm4b:s31+s2] =	stream.linear.scatter [tilespmem:s30], [sflag:$0x3], $0x80, $0x38;
	[tilespmem:$0x12900] =	vst v63  }
0x113: {  	s30 =	sadd.s32 $0x9C60, s11;
	s31 =	sadd.s32 $0x60, s29;
	s11 =	sadd.s32 $0x9CF0, s11  }
0x114: {  	[hbm4b:s31+s2] =	stream.linear.scatter [tilespmem:s30], [sflag:$0x3], $0x80, $0x38;
	[tilespmem:$0x12900] =	vst v63  }
0x115: {  	s31 =	sadd.s32 $0x70, s29;
	s29 =	sadd.s32 $0x1000, s29;
	s30 =	smov.u32 s13  }
0x116: {  	[hbm4b:s31+s2] =	stream.linear.scatter [tilespmem:s11], [sflag:$0x3], $0x80, $0x38;
	[tilespmem:$0x12900] =	vst v63  }
0x117: {  	s13 =	sadd.s32 $0x9900, s1  }
0x118: {  	[hbm4b:s29+s2] =	stream.linear.scatter [tilespmem:s13], [sflag:$0x3], $0x80, $0x38;
	[tilespmem:$0x12900] =	vst v63  }
0x119: {  	s31 =	sadd.s32 $0x9990, s1;
	s13 =	sadd.s32 $0x10, s29  }
0x11a: {  	[hbm4b:s13+s2] =	stream.linear.scatter [tilespmem:s31], [sflag:$0x3], $0x80, $0x38;
	[tilespmem:$0x12900] =	vst v63  }
0x11b: {  	s13 =	sadd.s32 $0x9A20, s1;
	s31 =	sadd.s32 $0x20, s29  }
0x11c: {  	[hbm4b:s31+s2] =	stream.linear.scatter [tilespmem:s13], [sflag:$0x3], $0x80, $0x38;
	[tilespmem:$0x12900] =	vst v63  }
0x11d: {  	s13 =	sadd.s32 $0x9AB0, s1;
	s31 =	sadd.s32 $0x30, s29  }
0x11e: {  	[hbm4b:s31+s2] =	stream.linear.scatter [tilespmem:s13], [sflag:$0x3], $0x80, $0x38;
	[tilespmem:$0x12900] =	vst v63  }
0x11f: {  	s13 =	sadd.s32 $0x9B40, s1;
	s31 =	sadd.s32 $0x40, s29  }
0x120: {  	[hbm4b:s31+s2] =	stream.linear.scatter [tilespmem:s13], [sflag:$0x3], $0x80, $0x38;
	[tilespmem:$0x12900] =	vst v63  }
0x121: {  	s13 =	sadd.s32 $0x9BD0, s1;
	s31 =	sadd.s32 $0x50, s29  }
0x122: {  	[hbm4b:s31+s2] =	stream.linear.scatter [tilespmem:s13], [sflag:$0x3], $0x80, $0x38;
	[tilespmem:$0x12900] =	vst v63  }
0x123: {  	s13 =	sadd.s32 $0x9C60, s1;
	s31 =	sadd.s32 $0x60, s29  }
0x124: {  	[hbm4b:s31+s2] =	stream.linear.scatter [tilespmem:s13], [sflag:$0x3], $0x80, $0x38;
	[tilespmem:$0x12900] =	vst v63  }
0x125: {  	s13 =	sadd.s32 $0x9CF0, s1;
	s31 =	sadd.s32 $0x70, s29  }
0x126: {  	[hbm4b:s31+s2] =	stream.linear.scatter [tilespmem:s13], [sflag:$0x3], $0x80, $0x38;
	[tilespmem:$0x12900] =	vst v63  }
0x127: {  	s11 =	simm.s32 $0xE100;
	s1 =	sadd.s32 s6, s0  }
0x128: {  	[hbm4b:s1+s2] =	stream.linear.scatter [tilespmem:s11], [sflag:$0x3], $0x80, $0x38;
	[tilespmem:$0x12900] =	vst v63  }
0x129: {  	s13 =	simm.s32 $0xE190;
	s31 =	sadd.s32 $0x10, s1  }
0x12a: {  	[hbm4b:s31+s2] =	stream.linear.scatter [tilespmem:s13], [sflag:$0x3], $0x80, $0x38;
	[tilespmem:$0x12900] =	vst v63  }
0x12b: {  	s0 =	simm.s32 $0x480;
	s13 =	simm.s32 $0xE220;
	s31 =	sadd.s32 $0x20, s1  }
0x12c: {  	[hbm4b:s31+s2] =	stream.linear.scatter [tilespmem:s13], [sflag:$0x3], $0x80, $0x38;
	[tilespmem:$0x12900] =	vst v63  }
0x12d: {  	s29 =	simm.s32 $0x2400;
	s13 =	simm.s32 $0xE2B0;
	s31 =	sadd.s32 $0x30, s1  }
0x12e: {  	[hbm4b:s31+s2] =	stream.linear.scatter [tilespmem:s13], [sflag:$0x3], $0x80, $0x38;
	[tilespmem:$0x12900] =	vst v63  }
0x12f: {  	s30 =	sadd.s32 $0x70, s1;
	s13 =	simm.s32 $0xE340;
	s31 =	sadd.s32 $0x40, s1  }
0x130: {  	[hbm4b:s31+s2] =	stream.linear.scatter [tilespmem:s13], [sflag:$0x3], $0x80, $0x38;
	[tilespmem:$0x12900] =	vst v63  }
0x131: {  	s11 =	simm.s32 $0xE4F0;
	s13 =	simm.s32 $0xE3D0;
	s31 =	sadd.s32 $0x50, s1  }
0x132: {  	[hbm4b:s31+s2] =	stream.linear.scatter [tilespmem:s13], [sflag:$0x3], $0x80, $0x38;
	[tilespmem:$0x12900] =	vst v63  }
0x133: {  	s13 =	simm.s32 $0xE460;
	s31 =	sadd.s32 $0x60, s1;
	s1 =	sadd.s32 $0x1000, s1  }
0x134: {  	[hbm4b:s31+s2] =	stream.linear.scatter [tilespmem:s13], [sflag:$0x3], $0x80, $0x38;
	[tilespmem:$0x12900] =	vst v63  }
.LBB2_7:
0x135: {  	[hbm4b:s30+s2] =	stream.linear.scatter [tilespmem:s11], [sflag:$0x3], $0x80, $0x38;
	[tilespmem:$0x12900] =	vst v63  }
0x136: {  	s11 =	smov.u32 s0;
	s0 =	smov.u32 s29  }
0x137: {  	s13 =	sadd.s32 $0x1200, s29;
	s0 =	sshra.s32 s0, $0x2;
	s30 =	sadd.s32 $0xE100, s11  }
0x138: {  	[hbm4b:s1+s2] =	stream.linear.scatter [tilespmem:s30], [sflag:$0x3], $0x80, $0x38;
	[tilespmem:$0x12900] =	vst v63  }
0x139: {  	p0 =	sne.s32 s29, $0x7E00;
	s29 =	sadd.s32 $0xE190, s11;
	s30 =	sadd.s32 $0x10, s1  }
0x13a: {  	[hbm4b:s30+s2] =	stream.linear.scatter [tilespmem:s29], [sflag:$0x3], $0x80, $0x38;
	[tilespmem:$0x12900] =	vst v63  }
0x13b: {  	s29 =	sadd.s32 $0xE220, s11;
	s30 =	sadd.s32 $0x20, s1  }
0x13c: {  	[hbm4b:s30+s2] =	stream.linear.scatter [tilespmem:s29], [sflag:$0x3], $0x80, $0x38;
	[tilespmem:$0x12900] =	vst v63  }
0x13d: {  	s29 =	sadd.s32 $0xE2B0, s11;
	s30 =	sadd.s32 $0x30, s1  }
0x13e: {  	[hbm4b:s30+s2] =	stream.linear.scatter [tilespmem:s29], [sflag:$0x3], $0x80, $0x38;
	[tilespmem:$0x12900] =	vst v63  }
0x13f: {  	s29 =	sadd.s32 $0xE340, s11;
	s30 =	sadd.s32 $0x40, s1  }
0x140: {  	[hbm4b:s30+s2] =	stream.linear.scatter [tilespmem:s29], [sflag:$0x3], $0x80, $0x38;
	[tilespmem:$0x12900] =	vst v63  }
.Ltmp2:
0x141: {  	s29 =	sadd.s32 $0xE3D0, s11;
	s30 =	sadd.s32 $0x50, s1;
	(pc) =	sbr.rel @p0 .LBB2_7-.Ltmp2, $4  }
0x142: {  	[hbm4b:s30+s2] =	stream.linear.scatter [tilespmem:s29], [sflag:$0x3], $0x80, $0x38;
	[tilespmem:$0x12900] =	vst v63  }
0x143: {  	s29 =	sadd.s32 $0xE460, s11;
	s30 =	sadd.s32 $0x60, s1;
	s11 =	sadd.s32 $0xE4F0, s11  }
0x144: {  	[hbm4b:s30+s2] =	stream.linear.scatter [tilespmem:s29], [sflag:$0x3], $0x80, $0x38;
	[tilespmem:$0x12900] =	vst v63  }
0x145: {  	s30 =	sadd.s32 $0x70, s1;
	s1 =	sadd.s32 $0x1000, s1;
	s29 =	smov.u32 s13  }
0x146: {  	[hbm4b:s30+s2] =	stream.linear.scatter [tilespmem:s11], [sflag:$0x3], $0x80, $0x38;
	[tilespmem:$0x12900] =	vst v63  }
0x147: {  	s13 =	sadd.s32 $0xE100, s0  }
0x148: {  	[hbm4b:s1+s2] =	stream.linear.scatter [tilespmem:s13], [sflag:$0x3], $0x80, $0x38;
	[tilespmem:$0x12900] =	vst v63  }
0x149: {  	s11 =	sadd.s32 $0xE190, s0;
	s13 =	sadd.s32 $0x10, s1  }
0x14a: {  	[hbm4b:s13+s2] =	stream.linear.scatter [tilespmem:s11], [sflag:$0x3], $0x80, $0x38;
	[tilespmem:$0x12900] =	vst v63  }
0x14b: {  	s11 =	sadd.s32 $0xE220, s0;
	s13 =	sadd.s32 $0x20, s1  }
0x14c: {  	[hbm4b:s13+s2] =	stream.linear.scatter [tilespmem:s11], [sflag:$0x3], $0x80, $0x38;
	[tilespmem:$0x12900] =	vst v63  }
0x14d: {  	s11 =	sadd.s32 $0xE2B0, s0;
	s13 =	sadd.s32 $0x30, s1  }
0x14e: {  	[hbm4b:s13+s2] =	stream.linear.scatter [tilespmem:s11], [sflag:$0x3], $0x80, $0x38;
	[tilespmem:$0x12900] =	vst v63  }
0x14f: {  	s11 =	sadd.s32 $0xE340, s0;
	s13 =	sadd.s32 $0x40, s1  }
0x150: {  	[hbm4b:s13+s2] =	stream.linear.scatter [tilespmem:s11], [sflag:$0x3], $0x80, $0x38;
	[tilespmem:$0x12900] =	vst v63  }
0x151: {  	s11 =	sadd.s32 $0xE3D0, s0;
	s13 =	sadd.s32 $0x50, s1  }
0x152: {  	[hbm4b:s13+s2] =	stream.linear.scatter [tilespmem:s11], [sflag:$0x3], $0x80, $0x38;
	[tilespmem:$0x12900] =	vst v63  }
0x153: {  	p0 =	seq.s32 s26, $0x18;
	s11 =	sadd.s32 $0xE460, s0;
	s13 =	sadd.s32 $0x60, s1  }
0x154: {  	[hbm4b:s13+s2] =	stream.linear.scatter [tilespmem:s11], [sflag:$0x3], $0x80, $0x38;
	[tilespmem:$0x12900] =	vst v63  }
0x155: {  	s13 =	sadd.s32 $0xE4F0, s0;
	s0 =	sshll.u32 @!p0 s26, $0x8  }
0x156: {  	s11 =	sadd.s32 $0x70, s1;
	s0 =	sand.u32 @!p0 $0x3FFFFF00, s0  }
0x157: {  	[hbm4b:s11+s2] =	stream.linear.scatter [tilespmem:s13], [sflag:$0x3], $0x80, $0x38;
	[tilespmem:$0x12900] =	vst v63  }
0x158: {  	s1 =	simm.s32 @!p0 $0x80;
	s0 =	sadd.s32 @!p0 $0x100, s0;
	s11 =	simm.s32 @!p0 $0x1900  }
0x159: {  	[tilespmem:s11], [sflag:$0x1] =	stream.indirect.gather @!p0 [hbm4b:s3+s1], $0x40, s0, s1, $0xb8;
	[tilespmem:$0x12900] =	vst v63  }
0x15a: {  	p1 =	seq.s32 @!p0 s26, $0x0;
	s11 =	simm.s32 @!p0 $0x5900  }
0x15b: {  	[tilespmem:s11], [sflag:$0x1] =	stream.indirect.gather @!p0 [hbm4b:s4+s1], $0x40, s0, s1, $0xb8;
	[tilespmem:$0x12900] =	vst v63  }
0x15c: {  	p0 =	por p0, !p1  }
0x15d: {  	_ =	swait.ge @p0 [sflag:s24], $0x2000  }
0x15e: {  	[sflag:s24] =	ssyncset.done @p0 $0x0  }
0x15f: {  	[sflag:s24] =	ssyncadd.s32 @p0 $0xFFFFE000  }
0x160: {  	_ =	swait.ge @p0 [sflag:s24], $0x2000  }
0x161: {  	[sflag:s24] =	ssyncset.done @p0 $0x0  }
0x162: {  	[sflag:s24] =	ssyncadd.s32 @p0 $0xFFFFE000  }
0x163: {  	_ =	swait.ge [sflag:s20], $0x2000  }
0x164: {  	[sflag:s20] =	ssyncset.done $0x0  }
0x165: {  	[sflag:s20] =	ssyncadd.s32 $0xFFFFE000  }
0x166: {  	s13 =	simm.s32 $0x0;
	_ =	swait.ge [sflag:s20], $0x2000  }
0x167: {  	v4 =	vmov s13;
	[sflag:s20] =	ssyncset.done $0x0  }
0x168: {  	s29 =	simm.s32 $0x39F0;
	v4 =	vand.u32 $0x7C, v4;
	[sflag:s20] =	ssyncadd.s32 $0xFFFFE000  }
0x169: {  	s30 =	simm.s32 $0x79F0;
	v6 =	vadd.s32 v0, v4;
	v5 =	vld [tilespmem:s29+$0xFFFFFF10]  }
0x16a: {  	v7 =	vld [tilespmem:s30+$0xFFFFFF10];
	_ =	sdelay $0x3  }
0x16b: {  	[tilespmem:v6+s21+$0x0] =	vst.idx.msk $0xffff, v5  }
0x16c: {  	[tilespmem:v6+s22+$0x0] =	vst.idx.msk $0xffff, v7  }
0x16d: {  	v6 =	vadd.s32 v1, v4;
	v5 =	vld [tilespmem:s29+$0xFFFFFF20]  }
0x16e: {  	v7 =	vld [tilespmem:s30+$0xFFFFFF20];
	_ =	sdelay $0x3  }
0x16f: {  	[tilespmem:v6+s21+$0x0] =	vst.idx.msk $0xffff, v5  }
0x170: {  	[tilespmem:v6+s22+$0x0] =	vst.idx.msk $0xffff, v7  }
0x171: {  	v6 =	vadd.s32 v2, v4;
	v5 =	vld [tilespmem:s29+$0xFFFFFF30]  }
0x172: {  	v7 =	vld [tilespmem:s30+$0xFFFFFF30];
	_ =	sdelay $0x3  }
0x173: {  	[tilespmem:v6+s21+$0x0] =	vst.idx.msk $0xffff, v5  }
0x174: {  	[tilespmem:v6+s22+$0x0] =	vst.idx.msk $0xffff, v7  }
0x175: {  	v4 =	vadd.s32 v3, v4;
	v5 =	vld [tilespmem:s29+$0xFFFFFF40]  }
0x176: {  	v6 =	vld [tilespmem:s30+$0xFFFFFF40];
	_ =	sdelay $0x2  }
0x177: {  	s1 =	simm.s32 $0x1  }
0x178: {  	[tilespmem:v4+s21+$0x0] =	vst.idx.msk $0xffff, v5;
	v5 =	vmov s1  }
0x179: {  	[tilespmem:v4+s22+$0x0] =	vst.idx.msk $0xffff, v6;
	v4 =	vand.u32 $0x7D, v5  }
0x17a: {  	v5 =	vld [tilespmem:s29+$0xFFFFFF50];
	v6 =	vadd.s32 v0, v4  }
0x17b: {  	v7 =	vld [tilespmem:s30+$0xFFFFFF50];
	_ =	sdelay $0x3  }
0x17c: {  	[tilespmem:v6+s21+$0x0] =	vst.idx.msk $0xffff, v5  }
0x17d: {  	[tilespmem:v6+s22+$0x0] =	vst.idx.msk $0xffff, v7  }
0x17e: {  	v6 =	vadd.s32 v1, v4;
	v5 =	vld [tilespmem:s29+$0xFFFFFF60]  }
0x17f: {  	v7 =	vld [tilespmem:s30+$0xFFFFFF60];
	_ =	sdelay $0x3  }
0x180: {  	[tilespmem:v6+s21+$0x0] =	vst.idx.msk $0xffff, v5  }
0x181: {  	[tilespmem:v6+s22+$0x0] =	vst.idx.msk $0xffff, v7  }
0x182: {  	v6 =	vadd.s32 v2, v4;
	v5 =	vld [tilespmem:s29+$0xFFFFFF70]  }
0x183: {  	v7 =	vld [tilespmem:s30+$0xFFFFFF70];
	_ =	sdelay $0x3  }
0x184: {  	[tilespmem:v6+s21+$0x0] =	vst.idx.msk $0xffff, v5  }
0x185: {  	[tilespmem:v6+s22+$0x0] =	vst.idx.msk $0xffff, v7  }
0x186: {  	v4 =	vadd.s32 v3, v4;
	v5 =	vld [tilespmem:s29+$0xFFFFFF80]  }
0x187: {  	v6 =	vld [tilespmem:s30+$0xFFFFFF80];
	_ =	sdelay $0x2  }
0x188: {  	s11 =	simm.s32 $0x2  }
0x189: {  	[tilespmem:v4+s21+$0x0] =	vst.idx.msk $0xffff, v5;
	v5 =	vmov s11  }
0x18a: {  	[tilespmem:v4+s22+$0x0] =	vst.idx.msk $0xffff, v6;
	v4 =	vand.u32 $0x7E, v5  }
0x18b: {  	v5 =	vld [tilespmem:s29+$0xFFFFFF90];
	v6 =	vadd.s32 v0, v4  }
0x18c: {  	v7 =	vld [tilespmem:s30+$0xFFFFFF90];
	_ =	sdelay $0x3  }
0x18d: {  	[tilespmem:v6+s21+$0x0] =	vst.idx.msk $0xffff, v5  }
0x18e: {  	[tilespmem:v6+s22+$0x0] =	vst.idx.msk $0xffff, v7  }
0x18f: {  	v6 =	vadd.s32 v1, v4;
	v5 =	vld [tilespmem:s29+$0xFFFFFFA0]  }
0x190: {  	v7 =	vld [tilespmem:s30+$0xFFFFFFA0];
	_ =	sdelay $0x3  }
0x191: {  	[tilespmem:v6+s21+$0x0] =	vst.idx.msk $0xffff, v5  }
0x192: {  	[tilespmem:v6+s22+$0x0] =	vst.idx.msk $0xffff, v7  }
0x193: {  	v6 =	vadd.s32 v2, v4;
	v5 =	vld [tilespmem:s29+$0xFFFFFFB0]  }
0x194: {  	v7 =	vld [tilespmem:s30+$0xFFFFFFB0];
	_ =	sdelay $0x3  }
0x195: {  	[tilespmem:v6+s21+$0x0] =	vst.idx.msk $0xffff, v5  }
0x196: {  	[tilespmem:v6+s22+$0x0] =	vst.idx.msk $0xffff, v7  }
0x197: {  	v4 =	vadd.s32 v3, v4;
	v5 =	vld [tilespmem:s29+$0xFFFFFFC0]  }
0x198: {  	v6 =	vld [tilespmem:s30+$0xFFFFFFC0];
	_ =	sdelay $0x2  }
0x199: {  	s13 =	simm.s32 $0x3  }
0x19a: {  	[tilespmem:v4+s21+$0x0] =	vst.idx.msk $0xffff, v5;
	v5 =	vmov s13  }
0x19b: {  	[tilespmem:v4+s22+$0x0] =	vst.idx.msk $0xffff, v6;
	v4 =	vand.u32 $0x7F, v5  }
0x19c: {  	v5 =	vld [tilespmem:s29+$0xFFFFFFD0];
	v6 =	vadd.s32 v0, v4  }
0x19d: {  	v7 =	vld [tilespmem:s30+$0xFFFFFFD0];
	_ =	sdelay $0x3  }
0x19e: {  	[tilespmem:v6+s21+$0x0] =	vst.idx.msk $0xffff, v5  }
0x19f: {  	[tilespmem:v6+s22+$0x0] =	vst.idx.msk $0xffff, v7  }
0x1a0: {  	v6 =	vadd.s32 v1, v4;
	v5 =	vld [tilespmem:s29+$0xFFFFFFE0]  }
0x1a1: {  	v7 =	vld [tilespmem:s30+$0xFFFFFFE0];
	_ =	sdelay $0x3  }
0x1a2: {  	[tilespmem:v6+s21+$0x0] =	vst.idx.msk $0xffff, v5  }
0x1a3: {  	[tilespmem:v6+s22+$0x0] =	vst.idx.msk $0xffff, v7  }
0x1a4: {  	v6 =	vadd.s32 v2, v4;
	v5 =	vld [tilespmem:s29+$0xFFFFFFF0]  }
0x1a5: {  	v7 =	vld [tilespmem:s30+$0xFFFFFFF0];
	_ =	sdelay $0x3  }
0x1a6: {  	[tilespmem:v6+s21+$0x0] =	vst.idx.msk $0xffff, v5  }
0x1a7: {  	[tilespmem:v6+s22+$0x0] =	vst.idx.msk $0xffff, v7  }
0x1a8: {  	v4 =	vadd.s32 v3, v4;
	v7 =	vld [tilespmem:s29+$0x0];
	_ =	sdelay $0x1  }
0x1a9: {  	v5 =	vld [tilespmem:s30+$0x0];
	_ =	sdelay $0x1  }
0x1aa: {  	s31 =	simm.s32 $0x4  }
0x1ab: {  	s11 =	simm.s32 $0x8;
	v6 =	vmov s31;
	[tilespmem:v4+s21+$0x0] =	vst.idx.msk $0xffff, v7  }
.LBB2_9:
0x1ac: {  	s30 =	sadd.s32 $0x100, s30  }
0x1ad: {  	v6 =	vand.u32 $0x7C, v6;
	[tilespmem:v4+s22+$0x0] =	vst.idx.msk $0xffff, v5;
	s29 =	sadd.s32 $0x100, s29;
	s1 =	smov.u32 s11;
	s0 =	sadd.s32 $0x4, s11  }
0x1ae: {  	p0 =	slt.u32 s11, $0x7C;
	v4 =	vld [tilespmem:s29+$0xFFFFFF10];
	v5 =	vadd.s32 v0, v6  }
0x1af: {  	v7 =	vld [tilespmem:s30+$0xFFFFFF10];
	_ =	sdelay $0x3  }
0x1b0: {  	[tilespmem:v5+s21+$0x0] =	vst.idx.msk $0xffff, v4  }
0x1b1: {  	[tilespmem:v5+s22+$0x0] =	vst.idx.msk $0xffff, v7  }
0x1b2: {  	v5 =	vadd.s32 v1, v6;
	v4 =	vld [tilespmem:s29+$0xFFFFFF20]  }
0x1b3: {  	v7 =	vld [tilespmem:s30+$0xFFFFFF20];
	_ =	sdelay $0x3  }
0x1b4: {  	[tilespmem:v5+s21+$0x0] =	vst.idx.msk $0xffff, v4  }
0x1b5: {  	[tilespmem:v5+s22+$0x0] =	vst.idx.msk $0xffff, v7  }
0x1b6: {  	v5 =	vadd.s32 v2, v6;
	v4 =	vld [tilespmem:s29+$0xFFFFFF30]  }
0x1b7: {  	v7 =	vld [tilespmem:s30+$0xFFFFFF30];
	_ =	sdelay $0x3  }
0x1b8: {  	[tilespmem:v5+s21+$0x0] =	vst.idx.msk $0xffff, v4  }
0x1b9: {  	[tilespmem:v5+s22+$0x0] =	vst.idx.msk $0xffff, v7  }
0x1ba: {  	v5 =	vadd.s32 v3, v6;
	v4 =	vld [tilespmem:s29+$0xFFFFFF40]  }
0x1bb: {  	v6 =	vld [tilespmem:s30+$0xFFFFFF40];
	_ =	sdelay $0x2  }
0x1bc: {  	s11 =	sadd.s32 $0x1, s31  }
0x1bd: {  	[tilespmem:v5+s21+$0x0] =	vst.idx.msk $0xffff, v4;
	v4 =	vmov s11  }
0x1be: {  	[tilespmem:v5+s22+$0x0] =	vst.idx.msk $0xffff, v6;
	v4 =	vand.u32 $0x7D, v4  }
0x1bf: {  	v5 =	vld [tilespmem:s29+$0xFFFFFF50];
	v6 =	vadd.s32 v0, v4  }
0x1c0: {  	v7 =	vld [tilespmem:s30+$0xFFFFFF50];
	_ =	sdelay $0x3  }
0x1c1: {  	[tilespmem:v6+s21+$0x0] =	vst.idx.msk $0xffff, v5  }
0x1c2: {  	[tilespmem:v6+s22+$0x0] =	vst.idx.msk $0xffff, v7  }
0x1c3: {  	v6 =	vadd.s32 v1, v4;
	v5 =	vld [tilespmem:s29+$0xFFFFFF60]  }
0x1c4: {  	v7 =	vld [tilespmem:s30+$0xFFFFFF60];
	_ =	sdelay $0x3  }
0x1c5: {  	[tilespmem:v6+s21+$0x0] =	vst.idx.msk $0xffff, v5  }
0x1c6: {  	[tilespmem:v6+s22+$0x0] =	vst.idx.msk $0xffff, v7  }
0x1c7: {  	v6 =	vadd.s32 v2, v4;
	v5 =	vld [tilespmem:s29+$0xFFFFFF70]  }
0x1c8: {  	v7 =	vld [tilespmem:s30+$0xFFFFFF70];
	_ =	sdelay $0x3  }
0x1c9: {  	[tilespmem:v6+s21+$0x0] =	vst.idx.msk $0xffff, v5  }
0x1ca: {  	[tilespmem:v6+s22+$0x0] =	vst.idx.msk $0xffff, v7  }
0x1cb: {  	v4 =	vadd.s32 v3, v4;
	v5 =	vld [tilespmem:s29+$0xFFFFFF80]  }
0x1cc: {  	v6 =	vld [tilespmem:s30+$0xFFFFFF80];
	_ =	sdelay $0x2  }
0x1cd: {  	s11 =	sadd.s32 $0x2, s31  }
0x1ce: {  	[tilespmem:v4+s21+$0x0] =	vst.idx.msk $0xffff, v5;
	v5 =	vmov s11  }
0x1cf: {  	[tilespmem:v4+s22+$0x0] =	vst.idx.msk $0xffff, v6;
	v4 =	vand.u32 $0x7E, v5  }
0x1d0: {  	v5 =	vld [tilespmem:s29+$0xFFFFFF90];
	v6 =	vadd.s32 v0, v4  }
0x1d1: {  	v7 =	vld [tilespmem:s30+$0xFFFFFF90];
	_ =	sdelay $0x3  }
0x1d2: {  	[tilespmem:v6+s21+$0x0] =	vst.idx.msk $0xffff, v5  }
0x1d3: {  	[tilespmem:v6+s22+$0x0] =	vst.idx.msk $0xffff, v7  }
0x1d4: {  	v6 =	vadd.s32 v1, v4;
	v5 =	vld [tilespmem:s29+$0xFFFFFFA0]  }
0x1d5: {  	v7 =	vld [tilespmem:s30+$0xFFFFFFA0];
	_ =	sdelay $0x3  }
0x1d6: {  	[tilespmem:v6+s21+$0x0] =	vst.idx.msk $0xffff, v5  }
0x1d7: {  	[tilespmem:v6+s22+$0x0] =	vst.idx.msk $0xffff, v7  }
0x1d8: {  	v6 =	vadd.s32 v2, v4;
	v5 =	vld [tilespmem:s29+$0xFFFFFFB0]  }
0x1d9: {  	v7 =	vld [tilespmem:s30+$0xFFFFFFB0];
	_ =	sdelay $0x3  }
0x1da: {  	[tilespmem:v6+s21+$0x0] =	vst.idx.msk $0xffff, v5  }
0x1db: {  	[tilespmem:v6+s22+$0x0] =	vst.idx.msk $0xffff, v7  }
0x1dc: {  	v4 =	vadd.s32 v3, v4;
	v5 =	vld [tilespmem:s29+$0xFFFFFFC0]  }
0x1dd: {  	v6 =	vld [tilespmem:s30+$0xFFFFFFC0];
	_ =	sdelay $0x2  }
0x1de: {  	s11 =	sadd.s32 $0x3, s31;
	s31 =	smov.u32 s1  }
0x1df: {  	[tilespmem:v4+s21+$0x0] =	vst.idx.msk $0xffff, v5;
	v5 =	vmov s11  }
0x1e0: {  	[tilespmem:v4+s22+$0x0] =	vst.idx.msk $0xffff, v6;
	v4 =	vand.u32 $0x7F, v5  }
0x1e1: {  	v5 =	vld [tilespmem:s29+$0xFFFFFFD0];
	v6 =	vadd.s32 v0, v4  }
0x1e2: {  	v7 =	vld [tilespmem:s30+$0xFFFFFFD0];
	_ =	sdelay $0x3  }
0x1e3: {  	[tilespmem:v6+s21+$0x0] =	vst.idx.msk $0xffff, v5  }
0x1e4: {  	[tilespmem:v6+s22+$0x0] =	vst.idx.msk $0xffff, v7  }
0x1e5: {  	v6 =	vadd.s32 v1, v4;
	v5 =	vld [tilespmem:s29+$0xFFFFFFE0]  }
0x1e6: {  	v7 =	vld [tilespmem:s30+$0xFFFFFFE0];
	_ =	sdelay $0x3  }
0x1e7: {  	[tilespmem:v6+s21+$0x0] =	vst.idx.msk $0xffff, v5  }
0x1e8: {  	[tilespmem:v6+s22+$0x0] =	vst.idx.msk $0xffff, v7  }
0x1e9: {  	v6 =	vadd.s32 v2, v4;
	v5 =	vld [tilespmem:s29+$0xFFFFFFF0]  }
0x1ea: {  	v7 =	vld [tilespmem:s30+$0xFFFFFFF0];
	_ =	sdelay $0x3  }
0x1eb: {  	[tilespmem:v6+s21+$0x0] =	vst.idx.msk $0xffff, v5  }
0x1ec: {  	[tilespmem:v6+s22+$0x0] =	vst.idx.msk $0xffff, v7  }
0x1ed: {  	v4 =	vadd.s32 v3, v4;
	v7 =	vld [tilespmem:s29+$0x0]  }
.Ltmp3:
0x1ee: {  	v5 =	vld [tilespmem:s30+$0x0];
	(pc) =	sbr.rel @p0 .LBB2_9-.Ltmp3, $2  }
0x1ef: {  	_ =	sdelay $0x2  }
0x1f0: {  	s11 =	smov.u32 s0;
	v6 =	vmov s31;
	[tilespmem:v4+s21+$0x0] =	vst.idx.msk $0xffff, v7  }
0x1f1: {  	_ =	sdelay $0x3  }
0x1f2: {  	v6 =	vand.u32 $0x7C, v6;
	[tilespmem:v4+s22+$0x0] =	vst.idx.msk $0xffff, v5;
	s1 =	sadd.s32 $0x100, s29  }
0x1f3: {  	s0 =	sadd.s32 $0x100, s30;
	v4 =	vld [tilespmem:s1+$0xFFFFFF10];
	v5 =	vadd.s32 v0, v6  }
0x1f4: {  	v7 =	vld [tilespmem:s0+$0xFFFFFF10];
	_ =	sdelay $0x3  }
0x1f5: {  	[tilespmem:v5+s21+$0x0] =	vst.idx.msk $0xffff, v4  }
0x1f6: {  	[tilespmem:v5+s22+$0x0] =	vst.idx.msk $0xffff, v7  }
0x1f7: {  	v5 =	vadd.s32 v1, v6;
	v4 =	vld [tilespmem:s1+$0xFFFFFF20]  }
0x1f8: {  	v7 =	vld [tilespmem:s0+$0xFFFFFF20];
	_ =	sdelay $0x3  }
0x1f9: {  	[tilespmem:v5+s21+$0x0] =	vst.idx.msk $0xffff, v4  }
0x1fa: {  	[tilespmem:v5+s22+$0x0] =	vst.idx.msk $0xffff, v7  }
0x1fb: {  	v5 =	vadd.s32 v2, v6;
	v4 =	vld [tilespmem:s1+$0xFFFFFF30]  }
0x1fc: {  	v7 =	vld [tilespmem:s0+$0xFFFFFF30];
	_ =	sdelay $0x3  }
0x1fd: {  	[tilespmem:v5+s21+$0x0] =	vst.idx.msk $0xffff, v4  }
0x1fe: {  	[tilespmem:v5+s22+$0x0] =	vst.idx.msk $0xffff, v7  }
0x1ff: {  	v5 =	vadd.s32 v3, v6;
	v4 =	vld [tilespmem:s1+$0xFFFFFF40]  }
0x200: {  	v54 =	vld [tilespmem:s0+$0xFFFFFF40];
	_ =	sdelay $0x2  }
0x201: {  	s11 =	sadd.s32 $0x1, s31  }
0x202: {  	[tilespmem:v5+s21+$0x0] =	vst.idx.msk $0xffff, v4;
	v4 =	vmov s11  }
0x203: {  	[tilespmem:v5+s22+$0x0] =	vst.idx.msk $0xffff, v54;
	v4 =	vand.u32 $0x7D, v4  }
0x204: {  	v5 =	vld [tilespmem:s1+$0xFFFFFF50];
	v55 =	vadd.s32 v0, v4  }
0x205: {  	v7 =	vld [tilespmem:s0+$0xFFFFFF50];
	_ =	sdelay $0x3  }
0x206: {  	[tilespmem:v55+s21+$0x0] =	vst.idx.msk $0xffff, v5  }
0x207: {  	[tilespmem:v55+s22+$0x0] =	vst.idx.msk $0xffff, v7  }
0x208: {  	v56 =	vadd.s32 v1, v4;
	v5 =	vld [tilespmem:s1+$0xFFFFFF60]  }
0x209: {  	v7 =	vld [tilespmem:s0+$0xFFFFFF60];
	_ =	sdelay $0x3  }
0x20a: {  	[tilespmem:v56+s21+$0x0] =	vst.idx.msk $0xffff, v5  }
0x20b: {  	[tilespmem:v56+s22+$0x0] =	vst.idx.msk $0xffff, v7  }
0x20c: {  	v57 =	vadd.s32 v2, v4;
	v5 =	vld [tilespmem:s1+$0xFFFFFF70]  }
0x20d: {  	v7 =	vld [tilespmem:s0+$0xFFFFFF70];
	_ =	sdelay $0x3  }
0x20e: {  	[tilespmem:v57+s21+$0x0] =	vst.idx.msk $0xffff, v5  }
0x20f: {  	[tilespmem:v57+s22+$0x0] =	vst.idx.msk $0xffff, v7  }
0x210: {  	v4 =	vadd.s32 v3, v4;
	v5 =	vld [tilespmem:s1+$0xFFFFFF80]  }
0x211: {  	v6 =	vld [tilespmem:s0+$0xFFFFFF80];
	_ =	sdelay $0x2  }
0x212: {  	s13 =	sadd.s32 $0x2, s31  }
0x213: {  	[tilespmem:v4+s21+$0x0] =	vst.idx.msk $0xffff, v5;
	v5 =	vmov s13  }
0x214: {  	[tilespmem:v4+s22+$0x0] =	vst.idx.msk $0xffff, v6;
	v4 =	vand.u32 $0x7E, v5  }
0x215: {  	v5 =	vld [tilespmem:s1+$0xFFFFFF90];
	v58 =	vadd.s32 v0, v4  }
0x216: {  	v7 =	vld [tilespmem:s0+$0xFFFFFF90];
	_ =	sdelay $0x3  }
0x217: {  	[tilespmem:v58+s21+$0x0] =	vst.idx.msk $0xffff, v5  }
0x218: {  	[tilespmem:v58+s22+$0x0] =	vst.idx.msk $0xffff, v7  }
0x219: {  	v59 =	vadd.s32 v1, v4;
	v5 =	vld [tilespmem:s1+$0xFFFFFFA0]  }
0x21a: {  	v7 =	vld [tilespmem:s0+$0xFFFFFFA0];
	_ =	sdelay $0x3  }
0x21b: {  	[tilespmem:v59+s21+$0x0] =	vst.idx.msk $0xffff, v5  }
0x21c: {  	[tilespmem:v59+s22+$0x0] =	vst.idx.msk $0xffff, v7  }
0x21d: {  	v60 =	vadd.s32 v2, v4;
	v5 =	vld [tilespmem:s1+$0xFFFFFFB0]  }
0x21e: {  	v7 =	vld [tilespmem:s0+$0xFFFFFFB0];
	_ =	sdelay $0x3  }
0x21f: {  	[tilespmem:v60+s21+$0x0] =	vst.idx.msk $0xffff, v5  }
0x220: {  	[tilespmem:v60+s22+$0x0] =	vst.idx.msk $0xffff, v7  }
0x221: {  	v4 =	vadd.s32 v3, v4;
	v5 =	vld [tilespmem:s1+$0xFFFFFFC0]  }
0x222: {  	v6 =	vld [tilespmem:s0+$0xFFFFFFC0];
	_ =	sdelay $0x2  }
0x223: {  	s31 =	sadd.s32 $0x3, s31  }
0x224: {  	[tilespmem:v4+s21+$0x0] =	vst.idx.msk $0xffff, v5;
	v5 =	vmov s31  }
0x225: {  	[tilespmem:v4+s22+$0x0] =	vst.idx.msk $0xffff, v6;
	v4 =	vand.u32 $0x7F, v5  }
0x226: {  	v5 =	vld [tilespmem:s1+$0xFFFFFFD0];
	v61 =	vadd.s32 v0, v4  }
0x227: {  	v7 =	vld [tilespmem:s0+$0xFFFFFFD0];
	_ =	sdelay $0x3  }
0x228: {  	[tilespmem:v61+s21+$0x0] =	vst.idx.msk $0xffff, v5  }
0x229: {  	[tilespmem:v61+s22+$0x0] =	vst.idx.msk $0xffff, v7  }
0x22a: {  	v62 =	vadd.s32 v1, v4;
	v5 =	vld [tilespmem:s1+$0xFFFFFFE0]  }
0x22b: {  	v7 =	vld [tilespmem:s0+$0xFFFFFFE0];
	_ =	sdelay $0x3  }
0x22c: {  	[tilespmem:v62+s21+$0x0] =	vst.idx.msk $0xffff, v5  }
0x22d: {  	[tilespmem:v62+s22+$0x0] =	vst.idx.msk $0xffff, v7  }
0x22e: {  	v63 =	vadd.s32 v2, v4;
	v5 =	vld [tilespmem:s1+$0xFFFFFFF0]  }
0x22f: {  	v7 =	vld [tilespmem:s0+$0xFFFFFFF0];
	_ =	sdelay $0x3  }
0x230: {  	[tilespmem:v63+s21+$0x0] =	vst.idx.msk $0xffff, v5  }
0x231: {  	[tilespmem:v63+s22+$0x0] =	vst.idx.msk $0xffff, v7  }
0x232: {  	v4 =	vadd.s32 v3, v4;
	v5 =	vld [tilespmem:s1+$0x0]  }
0x233: {  	v6 =	vld [tilespmem:s0+$0x0];
	_ =	sdelay $0x1  }
0x234: {  	s13 =	sshll.u32 s28, $0x12  }
0x235: {  	s0 =	sor.u32 s8, s13  }
0x236: {  	s0 =	sshrl.u32 s0, $0x3;
	[tilespmem:v4+s21+$0x0] =	vst.idx.msk $0xffff, v5  }
0x237: {  	s31 =	simm.s32 $0xBD00;
	s13 =	sadd.s32 s5, s0;
	[tilespmem:v4+s22+$0x0] =	vst.idx.msk $0xffff, v6  }
0x238: {  	[hbm4b:s13+s2] =	stream.linear.scatter [tilespmem:s31], [sflag:$0x4], $0x80, $0x38;
	[tilespmem:$0x12900] =	vst v63  }
0x239: {  	s11 =	simm.s32 $0xBD90;
	s31 =	sadd.s32 $0x10, s13  }
0x23a: {  	[hbm4b:s31+s2] =	stream.linear.scatter [tilespmem:s11], [sflag:$0x4], $0x80, $0x38;
	[tilespmem:$0x12900] =	vst v63  }
0x23b: {  	s11 =	simm.s32 $0xBE20;
	s31 =	sadd.s32 $0x20, s13  }
0x23c: {  	[hbm4b:s31+s2] =	stream.linear.scatter [tilespmem:s11], [sflag:$0x4], $0x80, $0x38;
	[tilespmem:$0x12900] =	vst v63  }
0x23d: {  	s11 =	simm.s32 $0xBEB0;
	s31 =	sadd.s32 $0x30, s13  }
0x23e: {  	[hbm4b:s31+s2] =	stream.linear.scatter [tilespmem:s11], [sflag:$0x4], $0x80, $0x38;
	[tilespmem:$0x12900] =	vst v63  }
0x23f: {  	s11 =	simm.s32 $0xBF40;
	s31 =	sadd.s32 $0x40, s13  }
0x240: {  	[hbm4b:s31+s2] =	stream.linear.scatter [tilespmem:s11], [sflag:$0x4], $0x80, $0x38;
	[tilespmem:$0x12900] =	vst v63  }
0x241: {  	s29 =	simm.s32 $0x2400;
	s11 =	simm.s32 $0xBFD0;
	s31 =	sadd.s32 $0x50, s13  }
0x242: {  	[hbm4b:s31+s2] =	stream.linear.scatter [tilespmem:s11], [sflag:$0x4], $0x80, $0x38;
	[tilespmem:$0x12900] =	vst v63  }
0x243: {  	s1 =	simm.s32 $0x480;
	s11 =	simm.s32 $0xC060;
	s31 =	sadd.s32 $0x60, s13  }
0x244: {  	[hbm4b:s31+s2] =	stream.linear.scatter [tilespmem:s11], [sflag:$0x4], $0x80, $0x38;
	[tilespmem:$0x12900] =	vst v63  }
0x245: {  	s30 =	sadd.s32 $0x70, s13;
	s28 =	sadd.s32 $0x1000, s13;
	s11 =	simm.s32 $0xC0F0  }
.LBB2_11:
0x246: {  	[hbm4b:s30+s2] =	stream.linear.scatter [tilespmem:s11], [sflag:$0x4], $0x80, $0x38;
	[tilespmem:$0x12900] =	vst v63  }
0x247: {  	s11 =	smov.u32 s1;
	s1 =	smov.u32 s29  }
0x248: {  	s13 =	sadd.s32 $0x1200, s29;
	s1 =	sshra.s32 s1, $0x2;
	s30 =	sadd.s32 $0xBD00, s11  }
0x249: {  	[hbm4b:s28+s2] =	stream.linear.scatter [tilespmem:s30], [sflag:$0x4], $0x80, $0x38;
	[tilespmem:$0x12900] =	vst v63  }
0x24a: {  	p0 =	sne.s32 s29, $0x7E00;
	s29 =	sadd.s32 $0xBD90, s11;
	s30 =	sadd.s32 $0x10, s28  }
0x24b: {  	[hbm4b:s30+s2] =	stream.linear.scatter [tilespmem:s29], [sflag:$0x4], $0x80, $0x38;
	[tilespmem:$0x12900] =	vst v63  }
0x24c: {  	s29 =	sadd.s32 $0xBE20, s11;
	s30 =	sadd.s32 $0x20, s28  }
0x24d: {  	[hbm4b:s30+s2] =	stream.linear.scatter [tilespmem:s29], [sflag:$0x4], $0x80, $0x38;
	[tilespmem:$0x12900] =	vst v63  }
0x24e: {  	s29 =	sadd.s32 $0xBEB0, s11;
	s30 =	sadd.s32 $0x30, s28  }
0x24f: {  	[hbm4b:s30+s2] =	stream.linear.scatter [tilespmem:s29], [sflag:$0x4], $0x80, $0x38;
	[tilespmem:$0x12900] =	vst v63  }
0x250: {  	s29 =	sadd.s32 $0xBF40, s11;
	s30 =	sadd.s32 $0x40, s28  }
0x251: {  	[hbm4b:s30+s2] =	stream.linear.scatter [tilespmem:s29], [sflag:$0x4], $0x80, $0x38;
	[tilespmem:$0x12900] =	vst v63  }
.Ltmp4:
0x252: {  	s29 =	sadd.s32 $0xBFD0, s11;
	s30 =	sadd.s32 $0x50, s28;
	(pc) =	sbr.rel @p0 .LBB2_11-.Ltmp4, $4  }
0x253: {  	[hbm4b:s30+s2] =	stream.linear.scatter [tilespmem:s29], [sflag:$0x4], $0x80, $0x38;
	[tilespmem:$0x12900] =	vst v63  }
0x254: {  	s29 =	sadd.s32 $0xC060, s11;
	s30 =	sadd.s32 $0x60, s28;
	s11 =	sadd.s32 $0xC0F0, s11  }
0x255: {  	[hbm4b:s30+s2] =	stream.linear.scatter [tilespmem:s29], [sflag:$0x4], $0x80, $0x38;
	[tilespmem:$0x12900] =	vst v63  }
0x256: {  	s30 =	sadd.s32 $0x70, s28;
	s28 =	sadd.s32 $0x1000, s28;
	s29 =	smov.u32 s13  }
0x257: {  	[hbm4b:s30+s2] =	stream.linear.scatter [tilespmem:s11], [sflag:$0x4], $0x80, $0x38;
	[tilespmem:$0x12900] =	vst v63  }
0x258: {  	s30 =	sadd.s32 $0xBD00, s1  }
0x259: {  	[hbm4b:s28+s2] =	stream.linear.scatter [tilespmem:s30], [sflag:$0x4], $0x80, $0x38;
	[tilespmem:$0x12900] =	vst v63  }
0x25a: {  	s31 =	sadd.s32 $0xBD90, s1;
	s13 =	sadd.s32 $0x10, s28  }
0x25b: {  	[hbm4b:s13+s2] =	stream.linear.scatter [tilespmem:s31], [sflag:$0x4], $0x80, $0x38;
	[tilespmem:$0x12900] =	vst v63  }
0x25c: {  	s30 =	sadd.s32 $0xBE20, s1;
	s31 =	sadd.s32 $0x20, s28  }
0x25d: {  	[hbm4b:s31+s2] =	stream.linear.scatter [tilespmem:s30], [sflag:$0x4], $0x80, $0x38;
	[tilespmem:$0x12900] =	vst v63  }
0x25e: {  	s30 =	sadd.s32 $0xBEB0, s1;
	s31 =	sadd.s32 $0x30, s28  }
0x25f: {  	[hbm4b:s31+s2] =	stream.linear.scatter [tilespmem:s30], [sflag:$0x4], $0x80, $0x38;
	[tilespmem:$0x12900] =	vst v63  }
0x260: {  	s30 =	sadd.s32 $0xBF40, s1;
	s31 =	sadd.s32 $0x40, s28  }
0x261: {  	[hbm4b:s31+s2] =	stream.linear.scatter [tilespmem:s30], [sflag:$0x4], $0x80, $0x38;
	[tilespmem:$0x12900] =	vst v63  }
0x262: {  	s30 =	sadd.s32 $0xBFD0, s1;
	s31 =	sadd.s32 $0x50, s28  }
0x263: {  	[hbm4b:s31+s2] =	stream.linear.scatter [tilespmem:s30], [sflag:$0x4], $0x80, $0x38;
	[tilespmem:$0x12900] =	vst v63  }
0x264: {  	s30 =	sadd.s32 $0xC060, s1;
	s31 =	sadd.s32 $0x60, s28  }
0x265: {  	[hbm4b:s31+s2] =	stream.linear.scatter [tilespmem:s30], [sflag:$0x4], $0x80, $0x38;
	[tilespmem:$0x12900] =	vst v63  }
0x266: {  	s13 =	sadd.s32 $0xC0F0, s1;
	s30 =	sadd.s32 $0x70, s28  }
0x267: {  	[hbm4b:s30+s2] =	stream.linear.scatter [tilespmem:s13], [sflag:$0x4], $0x80, $0x38;
	[tilespmem:$0x12900] =	vst v63  }
0x268: {  	s1 =	sadd.s32 s6, s0;
	s31 =	simm.s32 $0x10500  }
0x269: {  	[hbm4b:s1+s2] =	stream.linear.scatter [tilespmem:s31], [sflag:$0x4], $0x80, $0x38;
	[tilespmem:$0x12900] =	vst v63  }
0x26a: {  	s11 =	simm.s32 $0x10590;
	s13 =	sadd.s32 $0x10, s1  }
0x26b: {  	[hbm4b:s13+s2] =	stream.linear.scatter [tilespmem:s11], [sflag:$0x4], $0x80, $0x38;
	[tilespmem:$0x12900] =	vst v63  }
0x26c: {  	s0 =	simm.s32 $0x480;
	s30 =	simm.s32 $0x10620;
	s31 =	sadd.s32 $0x20, s1  }
0x26d: {  	[hbm4b:s31+s2] =	stream.linear.scatter [tilespmem:s30], [sflag:$0x4], $0x80, $0x38;
	[tilespmem:$0x12900] =	vst v63  }
0x26e: {  	s29 =	sadd.s32 $0x70, s1;
	s11 =	simm.s32 $0x106B0;
	s13 =	sadd.s32 $0x30, s1  }
0x26f: {  	[hbm4b:s13+s2] =	stream.linear.scatter [tilespmem:s11], [sflag:$0x4], $0x80, $0x38;
	[tilespmem:$0x12900] =	vst v63  }
0x270: {  	s28 =	simm.s32 $0x2400;
	s30 =	simm.s32 $0x10740;
	s31 =	sadd.s32 $0x40, s1  }
0x271: {  	[hbm4b:s31+s2] =	stream.linear.scatter [tilespmem:s30], [sflag:$0x4], $0x80, $0x38;
	[tilespmem:$0x12900] =	vst v63  }
0x272: {  	s11 =	simm.s32 $0x107D0;
	s13 =	sadd.s32 $0x50, s1;
	s30 =	simm.s32 $0x10860  }
0x273: {  	[hbm4b:s13+s2] =	stream.linear.scatter [tilespmem:s11], [sflag:$0x4], $0x80, $0x38;
	[tilespmem:$0x12900] =	vst v63  }
0x274: {  	s31 =	sadd.s32 $0x60, s1;
	s1 =	sadd.s32 $0x1000, s1;
	s11 =	simm.s32 $0x108F0  }
0x275: {  	[hbm4b:s31+s2] =	stream.linear.scatter [tilespmem:s30], [sflag:$0x4], $0x80, $0x38;
	[tilespmem:$0x12900] =	vst v63  }
.LBB2_13:
0x276: {  	[hbm4b:s29+s2] =	stream.linear.scatter [tilespmem:s11], [sflag:$0x4], $0x80, $0x38;
	[tilespmem:$0x12900] =	vst v63  }
0x277: {  	s11 =	smov.u32 s0;
	s0 =	smov.u32 s28  }
0x278: {  	s13 =	sadd.s32 $0x1200, s28;
	s0 =	sshra.s32 s0, $0x2;
	s29 =	sadd.s32 $0x10500, s11  }
0x279: {  	[hbm4b:s1+s2] =	stream.linear.scatter [tilespmem:s29], [sflag:$0x4], $0x80, $0x38;
	[tilespmem:$0x12900] =	vst v63  }
0x27a: {  	p0 =	sne.s32 s28, $0x7E00;
	s28 =	sadd.s32 $0x10590, s11;
	s29 =	sadd.s32 $0x10, s1  }
0x27b: {  	[hbm4b:s29+s2] =	stream.linear.scatter [tilespmem:s28], [sflag:$0x4], $0x80, $0x38;
	[tilespmem:$0x12900] =	vst v63  }
0x27c: {  	s28 =	sadd.s32 $0x10620, s11;
	s29 =	sadd.s32 $0x20, s1  }
0x27d: {  	[hbm4b:s29+s2] =	stream.linear.scatter [tilespmem:s28], [sflag:$0x4], $0x80, $0x38;
	[tilespmem:$0x12900] =	vst v63  }
0x27e: {  	s28 =	sadd.s32 $0x106B0, s11;
	s29 =	sadd.s32 $0x30, s1  }
0x27f: {  	[hbm4b:s29+s2] =	stream.linear.scatter [tilespmem:s28], [sflag:$0x4], $0x80, $0x38;
	[tilespmem:$0x12900] =	vst v63  }
0x280: {  	s28 =	sadd.s32 $0x10740, s11;
	s29 =	sadd.s32 $0x40, s1  }
0x281: {  	[hbm4b:s29+s2] =	stream.linear.scatter [tilespmem:s28], [sflag:$0x4], $0x80, $0x38;
	[tilespmem:$0x12900] =	vst v63  }
.Ltmp5:
0x282: {  	s28 =	sadd.s32 $0x107D0, s11;
	s29 =	sadd.s32 $0x50, s1;
	(pc) =	sbr.rel @p0 .LBB2_13-.Ltmp5, $4  }
0x283: {  	[hbm4b:s29+s2] =	stream.linear.scatter [tilespmem:s28], [sflag:$0x4], $0x80, $0x38;
	[tilespmem:$0x12900] =	vst v63  }
0x284: {  	s28 =	sadd.s32 $0x10860, s11;
	s29 =	sadd.s32 $0x60, s1;
	s11 =	sadd.s32 $0x108F0, s11  }
0x285: {  	[hbm4b:s29+s2] =	stream.linear.scatter [tilespmem:s28], [sflag:$0x4], $0x80, $0x38;
	[tilespmem:$0x12900] =	vst v63  }
0x286: {  	s29 =	sadd.s32 $0x70, s1;
	s1 =	sadd.s32 $0x1000, s1;
	s28 =	smov.u32 s13  }
0x287: {  	[hbm4b:s29+s2] =	stream.linear.scatter [tilespmem:s11], [sflag:$0x4], $0x80, $0x38;
	[tilespmem:$0x12900] =	vst v63  }
0x288: {  	s30 =	sadd.s32 $0x10500, s0  }
0x289: {  	[hbm4b:s1+s2] =	stream.linear.scatter [tilespmem:s30], [sflag:$0x4], $0x80, $0x38;
	[tilespmem:$0x12900] =	vst v63  }
0x28a: {  	s31 =	sadd.s32 $0x10590, s0;
	s13 =	sadd.s32 $0x10, s1  }
0x28b: {  	[hbm4b:s13+s2] =	stream.linear.scatter [tilespmem:s31], [sflag:$0x4], $0x80, $0x38;
	[tilespmem:$0x12900] =	vst v63  }
0x28c: {  	s28 =	sadd.s32 $0x10620, s0;
	s29 =	sadd.s32 $0x20, s1  }
0x28d: {  	[hbm4b:s29+s2] =	stream.linear.scatter [tilespmem:s28], [sflag:$0x4], $0x80, $0x38;
	[tilespmem:$0x12900] =	vst v63  }
0x28e: {  	s30 =	sadd.s32 $0x106B0, s0;
	s31 =	sadd.s32 $0x30, s1  }
0x28f: {  	[hbm4b:s31+s2] =	stream.linear.scatter [tilespmem:s30], [sflag:$0x4], $0x80, $0x38;
	[tilespmem:$0x12900] =	vst v63  }
0x290: {  	s26 =	sadd.s32 $0x1, s26;
	s28 =	sadd.s32 $0x10740, s0;
	s29 =	sadd.s32 $0x40, s1  }
0x291: {  	[hbm4b:s29+s2] =	stream.linear.scatter [tilespmem:s28], [sflag:$0x4], $0x80, $0x38;
	[tilespmem:$0x12900] =	vst v63  }
0x292: {  	p0 =	sne.s32 s26, $0x19;
	s30 =	sadd.s32 $0x107D0, s0;
	s31 =	sadd.s32 $0x50, s1  }
0x293: {  	[hbm4b:s31+s2] =	stream.linear.scatter [tilespmem:s30], [sflag:$0x4], $0x80, $0x38;
	[tilespmem:$0x12900] =	vst v63  }
.Ltmp6:
0x294: {  	_ = 	snop;
	(pc) =	sbr.rel @p0 .LBB2_2-.Ltmp6, $4  }
0x295: {  	s28 =	sadd.s32 $0x10860, s0;
	s29 =	sadd.s32 $0x60, s1  }
0x296: {  	[hbm4b:s29+s2] =	stream.linear.scatter [tilespmem:s28], [sflag:$0x4], $0x80, $0x38;
	[tilespmem:$0x12900] =	vst v63  }
0x297: {  	s30 =	sadd.s32 $0x108F0, s0;
	s31 =	sadd.s32 $0x70, s1  }
0x298: {  	[hbm4b:s31+s2] =	stream.linear.scatter [tilespmem:s30], [sflag:$0x4], $0x80, $0x38;
	[tilespmem:$0x12900] =	vst v63  }
0x299: {  	_ =	swait.ge [sflag:s23], $0x2000  }
0x29a: {  	[sflag:s23] =	ssyncset.done $0x0  }
0x29b: {  	[sflag:s23] =	ssyncadd.s32 $0xFFFFE000  }
0x29c: {  	_ =	swait.ge [sflag:s23], $0x2000  }
0x29d: {  	[sflag:s23] =	ssyncset.done $0x0  }
0x29e: {  	s25 =	sadd.s32 $0x1, s25;
	[sflag:s23] =	ssyncadd.s32 $0xFFFFE000  }
0x29f: {  	p0 =	sne.s32 s25, s9;
	_ =	swait.ge [sflag:s24], $0x2000  }
.Ltmp7:
0x2a0: {  	[sflag:s24] =	ssyncset.done $0x0;
	(pc) =	sbr.rel @p0 .LBB2_1-.Ltmp7, $4  }
0x2a1: {  	[sflag:s24] =	ssyncadd.s32 $0xFFFFE000  }
0x2a2: {  	_ =	swait.ge [sflag:s24], $0x2000  }
0x2a3: {  	[sflag:s24] =	ssyncset.done $0x0  }
0x2a4: {  	[sflag:s24] =	ssyncadd.s32 $0xFFFFE000  }
0x2a5: {  	_ =	sfence.sel $0x180000  }
0x2a6: {  	[bflag:$0x0] =	sbarrier.arrive $0xFFFF  }
0x2a7: {  	_ =	strace $0x90000047  }
0x2a8: {  	s0 =	stileid.u32;
	[bflag:$0x2] =	sbarrier.arrive $0xFFFF  }
0x2a9: {  	p0 =	sne.s32 s0, $0x0;
	s0 =	rddreg [dreg:$0x1]  }
0x2aa: {  	s0 =	sadd.s32 @!p0 $0x100000, s0  }
0x2ab: {  	[sflag:s0] =	ssyncadd.tile.s32 @!p0 $0x1;
	_ =	shalt  }
.Lfunc_end2:
_tile_overlayer_lowered:
.L_overlay_start_2:
0x2ac: {  	(tag) =	ssettag $0x2  }
0x2ad: {  	s0 =	rddreg [dreg:$0x0];
	s2 =	stileid.u32  }
0x2ae: {  	s1 =	rddreg [dreg:$0x1];
	p0 =	sne.s32 s2, $0x0  }
0x2af: {  	s3 =	rddreg [dreg:$0x2];
	[bflag:$0x3] =	sbarrier.arrive $0xFFFF;
	s2 =	simm.s32 @!p0 $0x1C05  }
0x2b0: {  	[timem:s3], [sflag:s2] =	dma.local @!p0 [hbm:s0], s1  }
0x2b1: {  	s0 =	simm.s32 @!p0 $0x5  }
0x2b2: {  	_ =	swait.ge @!p0 [sflag:s0], s1  }
0x2b3: {  	s1 =	ssub.s32 @!p0 $0x0, s1;
	[sflag:s0] =	ssyncset.done @!p0 $0x0  }
0x2b4: {  	[sflag:s0] =	ssyncadd.s32 @!p0 s1  }
0x2b5: {  	[bflag:$0x3] =	sbarrier.arrive $0xFFFF  }
0x2b6: {  	_ =	shalt  }

</sc_bundles>
